<compile_context>
chip_gen: v7x
topology: tpu7x:2x2x1
jax: 0.10.2.dev20260603
libtpu: 0.0.44.dev20260713+nightly
codegen_flags: <defaults>
</compile_context>

<pallas_src>
import functools

import jax
import jax.numpy as jnp
from jax import lax
from jax.experimental import pallas as pl
from jax.experimental.pallas import tpu as pltpu
from jax.experimental.pallas import tpu_sc as plsc

_T = 2048
_D = 768
_H = 1536
_E = 64
_DP = _D + 128

_BLKR = 512
_NR = _T // _BLKR

_BLK = 256
_NT = _T // _BLK
_G = _NT + _E - 1

_NC = 2
_NS = 16
_NW = _NC * _NS
_CHUNK = _T // _NW



_GPAD = 128


def _sched_row(gi, cum, tiles, t0, off, off_end, g_act):
    se = jnp.sum((cum[None, :] <= gi).astype(jnp.float32), axis=1)
    se = jnp.minimum(se, float(_E - 1))
    se_last = jnp.minimum(jnp.sum((cum <= g_act - 1.0).astype(jnp.float32)),
                          float(_E - 1))
    se = jnp.where(gi[:, 0] < g_act, se, se_last)
    col = lax.broadcasted_iota(jnp.int32, (_GPAD, _E), 1).astype(jnp.float32)
    oh = (col == se[:, None]).astype(jnp.float32)

    def g(v):
        return jnp.sum(oh * v[None, :], axis=1)

    start_e = g(cum) - g(tiles)
    st = g(t0) + gi[:, 0] - start_e
    valid = gi[:, 0] < g_act
    st = jnp.where(valid, st, float(_NT - 1))
    lo = jnp.where(valid, jnp.maximum(g(off) - st * _BLK, 0.0), 0.0)
    hi = jnp.where(valid, jnp.minimum(g(off_end) - st * _BLK, float(_BLK)),
                   0.0)
    return st, lo, hi, se


def _excl_offs(carry):
    er = lax.broadcasted_iota(jnp.int32, (_E, _E), 0)
    ec = lax.broadcasted_iota(jnp.int32, (_E, _E), 1)
    excl = (er < ec).astype(jnp.float32)
    return jnp.dot(carry, excl, preferred_element_type=jnp.float32)


def _router_body(x_ref, wr_ref, xw_ref, pos_ref, sched_ref, aux_ref,
                 carry_ref, psum_ref, eall_ref, rall_ref):
    p = pl.program_id(0)
    i = pl.program_id(1)

    @pl.when((p == 0) & (i == 0))
    def _():
        carry_ref[...] = jnp.zeros_like(carry_ref)
        psum_ref[...] = jnp.zeros_like(psum_ref)

    @pl.when(p == 0)
    def _pass0():
        xb = x_ref[...]
        logits = jnp.dot(xb, wr_ref[...],
                         preferred_element_type=jnp.float32)
        m = jnp.max(logits, axis=1, keepdims=True)
        el = jnp.exp(logits - m)
        sumexp = jnp.sum(el, axis=1, keepdims=True)
        probs = el / sumexp
        topv = 1.0 / sumexp[:, 0]
        w = topv / (topv + 1e-9)

        col = lax.broadcasted_iota(jnp.int32, (_BLKR, _E), 1)
        ti = jnp.min(jnp.where(logits == m, col, _E), axis=1)
        oh = (col == ti[:, None]).astype(jnp.float32)

        r_io = lax.broadcasted_iota(jnp.int32, (_BLKR, _BLKR), 0)
        c_io = lax.broadcasted_iota(jnp.int32, (_BLKR, _BLKR), 1)
        tri = (c_io < r_io).astype(jnp.float32)
        prior = jnp.dot(tri, oh, preferred_element_type=jnp.float32)
        rank_local = jnp.sum(prior * oh, axis=1)
        carry = carry_ref[...]
        rank = rank_local + jnp.sum(carry * oh, axis=1)

        eall_ref[i, 0, :] = ti
        rall_ref[i, 0, :] = rank.astype(jnp.int32)
        xw_ref[...] = jnp.concatenate(
            [xb, jnp.broadcast_to(w[:, None], (_BLKR, _DP - _D))], axis=1)

        carry_ref[...] = carry + jnp.sum(oh, axis=0, keepdims=True)
        psum_ref[...] = psum_ref[...] + jnp.sum(probs, axis=0, keepdims=True)

    @pl.when(p == 1)
    def _pass1():
        carry = carry_ref[...]
        offs = _excl_offs(carry)[0]
        e = eall_ref[i, 0, :]
        col = lax.broadcasted_iota(jnp.int32, (_BLKR, _E), 1)
        oh = (col == e[:, None]).astype(jnp.float32)
        offs_g = jnp.sum(oh * offs[None, :], axis=1)
        pos_ref[...] = (rall_ref[i, 0, :]
                        + offs_g.astype(jnp.int32)).reshape(1, 1, _BLKR)

    @pl.when((p == 1) & (i == 0))
    def _finalize():
        carry = carry_ref[...]
        aux = _E * jnp.sum(carry * psum_ref[...]) / float(_T * _T)
        aux_ref[...] = jnp.broadcast_to(aux, (1, 1, _E))

        cnt = carry[0]
        off = _excl_offs(carry)[0]
        off_end = off + cnt
        t0 = jnp.floor(off / float(_BLK))
        t1 = jnp.floor((off_end - 1.0) / float(_BLK))
        tiles = jnp.where(cnt > 0, t1 - t0 + 1.0, 0.0)
        er = lax.broadcasted_iota(jnp.int32, (_E, _E), 0)
        ec = lax.broadcasted_iota(jnp.int32, (_E, _E), 1)
        incl = (er <= ec).astype(jnp.float32)
        cum = jnp.dot(tiles.reshape(1, _E), incl,
                      preferred_element_type=jnp.float32)[0]
        g_act = jnp.sum(tiles)

        gi = lax.broadcasted_iota(jnp.int32, (_GPAD, 1), 0).astype(
            jnp.float32)
        st, lo, hi, sexp = _sched_row(gi, cum, tiles, t0, off, off_end,
                                      g_act)
        st_p, _, _, _ = _sched_row(jnp.maximum(gi - 1.0, 0.0), cum, tiles,
                                   t0, off, off_end, g_act)
        init = jnp.where(gi[:, 0] == 0.0, 1.0,
                         (st != st_p).astype(jnp.float32))
        sched = jnp.stack([sexp, st, lo, hi, init], axis=0)
        sched_ref[...] = sched.astype(jnp.int32).reshape(5, 1, _GPAD)


def _router(xf, Wr):
    return pl.pallas_call(
        _router_body,
        grid=(2, _NR),
        in_specs=[
            pl.BlockSpec((_BLKR, _D),
                         lambda p, i: (jnp.where(p == 0, i, _NR - 1), 0)),
            pl.BlockSpec((_D, _E), lambda p, i: (0, 0)),
        ],
        out_specs=[
            pl.BlockSpec((_BLKR, _DP),
                         lambda p, i: (jnp.where(p == 0, i, _NR - 1), 0)),
            pl.BlockSpec((1, 1, _BLKR),
                         lambda p, i: (jnp.where(p == 1, i, 0), 0, 0)),
            pl.BlockSpec((5, 1, _GPAD), lambda p, i: (0, 0, 0)),
            pl.BlockSpec((1, 1, _E), lambda p, i: (0, 0, 0)),
        ],
        out_shape=[
            jax.ShapeDtypeStruct((_T, _DP), jnp.float32),
            jax.ShapeDtypeStruct((_NR, 1, _BLKR), jnp.int32),
            jax.ShapeDtypeStruct((5, 1, _GPAD), jnp.int32),
            jax.ShapeDtypeStruct((1, 1, _E), jnp.float32),
        ],
        scratch_shapes=[
            pltpu.VMEM((1, _E), jnp.float32),
            pltpu.VMEM((1, _E), jnp.float32),
            pltpu.VMEM((_NR, 1, _BLKR), jnp.int32),
            pltpu.VMEM((_NR, 1, _BLKR), jnp.int32),
        ],
        compiler_params=pltpu.CompilerParams(
            dimension_semantics=("arbitrary", "arbitrary")),
    )(xf, Wr)


def _dispatch(xw, pos):
    mesh = plsc.VectorSubcoreMesh(core_axis_name="c", subcore_axis_name="s")

    @functools.partial(
        pl.kernel,
        mesh=mesh,
        out_type=jax.ShapeDtypeStruct((_T, _DP), jnp.float32),
        scratch_types=[
            pltpu.VMEM((_CHUNK, _DP), jnp.float32),
            pltpu.VMEM((_CHUNK,), jnp.int32),
            pltpu.SemaphoreType.DMA,
        ],
    )
    def disp(xw_hbm, pos_hbm, xs_hbm, xw_v, p_v, sem):
        wid = lax.axis_index("s") * _NC + lax.axis_index("c")
        base = wid * _CHUNK
        pltpu.sync_copy(pos_hbm.at[pl.ds(base, _CHUNK)], p_v)
        pltpu.sync_copy(xw_hbm.at[pl.ds(base, _CHUNK)], xw_v)
        pltpu.async_copy(xw_v, xs_hbm.at[p_v], sem).wait()

    return disp(xw, pos)


def _gmm_body(sched_ref, xs_ref, w1_ref, w2_ref, w3_ref, out_ref):
    g = pl.program_id(0)
    xb = xs_ref[:, :_D]
    wcol = xs_ref[:, _D:_D + 1]
    a = jnp.dot(xb, w1_ref[0], preferred_element_type=jnp.float32)
    b = jnp.dot(xb, w2_ref[0], preferred_element_type=jnp.float32)
    h = (a * jax.nn.sigmoid(a)) * b
    y = jnp.dot(h, w3_ref[0], preferred_element_type=jnp.float32)
    rows = lax.broadcasted_iota(jnp.int32, (_BLK, 1), 0)
    mask = (rows >= sched_ref[2, g]) & (rows < sched_ref[3, g])
    y = jnp.where(mask, y * wcol, 0.0)

    @pl.when(sched_ref[4, g] != 0)
    def _():
        out_ref[...] = y

    @pl.when(sched_ref[4, g] == 0)
    def _():
        out_ref[...] += y


def _gmm(sched, xs, W1, W2, W3):
    grid_spec = pltpu.PrefetchScalarGridSpec(
        num_scalar_prefetch=1,
        grid=(_G,),
        in_specs=[
            pl.BlockSpec((_BLK, _DP), lambda g, s: (s[1, g], 0)),
            pl.BlockSpec((1, _D, _H), lambda g, s: (s[0, g], 0, 0)),
            pl.BlockSpec((1, _D, _H), lambda g, s: (s[0, g], 0, 0)),
            pl.BlockSpec((1, _H, _D), lambda g, s: (s[0, g], 0, 0)),
        ],
        out_specs=pl.BlockSpec((_BLK, _D), lambda g, s: (s[1, g], 0)),
        scratch_shapes=[],
    )
    return pl.pallas_call(
        _gmm_body,
        grid_spec=grid_spec,
        out_shape=jax.ShapeDtypeStruct((_T, _D), jnp.float32),
        compiler_params=pltpu.CompilerParams(
            dimension_semantics=("arbitrary",)),
    )(sched, xs, W1, W2, W3)


def _combine(ys, pos):
    mesh = plsc.VectorSubcoreMesh(core_axis_name="c", subcore_axis_name="s")

    @functools.partial(
        pl.kernel,
        mesh=mesh,
        out_type=jax.ShapeDtypeStruct((_T, _D), jnp.float32),
        scratch_types=[
            pltpu.VMEM((_CHUNK,), jnp.int32),
            pltpu.VMEM((_CHUNK, _D), jnp.float32),
            pltpu.SemaphoreType.DMA,
        ],
    )
    def comb(ys_hbm, pos_hbm, out_hbm, p_v, rows_v, sem):
        wid = lax.axis_index("s") * _NC + lax.axis_index("c")
        base = wid * _CHUNK
        pltpu.sync_copy(pos_hbm.at[pl.ds(base, _CHUNK)], p_v)
        pltpu.async_copy(ys_hbm.at[p_v], rows_v, sem).wait()
        pltpu.sync_copy(rows_v, out_hbm.at[pl.ds(base, _CHUNK)])

    return comb(ys, pos)


def kernel(x, Wr, W1, W2, W3):
    Bb, Tt, D = x.shape
    xf = x.reshape(_T, _D)
    xw, pos3, sched3, auxf = _router(xf, Wr)
    aux = auxf[0, 0, 0]
    pos = pos3.reshape(_T)
    sched = sched3.reshape(5, _GPAD)
    xs = _dispatch(xw, pos)
    ys = _gmm(sched, xs, W1, W2, W3)
    outf = _combine(ys, pos)
    return outf.reshape(Bb, Tt, D), aux

# --- scband reference (transcript-rebuilt; emitter-appended) ---
"""Pipeline reference for scband-ternary-mo-efeed-forward-5918464934125 (READ-ONLY COPY).

The authoritative reference and input builder live on the scoring server;
editing this copy changes nothing except your own understanding.
"""

import jax, jax.numpy as jnp
import numpy as np

B = 1
T = 2048
D_MODEL = 768
FFN_MULT = 2
D_HIDDEN = FFN_MULT * D_MODEL
N_EXPERTS = 64
TOP_K = 1


def setup_inputs(seed: int = 0) -> dict:
    key = jax.random.key(seed)
    ks = jax.random.split(key, 5)
    x = jax.random.normal(ks[0], (B, T, D_MODEL), dtype=jnp.float32)
    Wr = jax.random.normal(ks[1], (D_MODEL, N_EXPERTS), dtype=jnp.float32) * 0.02
    W1 = jax.random.normal(ks[2], (N_EXPERTS, D_MODEL, D_HIDDEN), dtype=jnp.float32) * 0.02
    W2 = jax.random.normal(ks[3], (N_EXPERTS, D_MODEL, D_HIDDEN), dtype=jnp.float32) * 0.02
    W3 = jax.random.normal(ks[4], (N_EXPERTS, D_HIDDEN, D_MODEL), dtype=jnp.float32) * 0.02
    return {"x": x, "Wr": Wr, "W1": W1, "W2": W2, "W3": W3}


def reference(x, Wr, W1, W2, W3):
    Bb, Tt, D = x.shape
    N = Bb * Tt
    xf = x.reshape(N, D)
    # Router (TopExpertsRouter)
    logits = xf @ Wr
    probs = jax.nn.softmax(logits, axis=-1)
    top_val, top_idx = jax.lax.top_k(probs, TOP_K)
    weights = top_val / (top_val.sum(axis=-1, keepdims=True) + 1e-9)
    # Expert dispatch (masked per-expert compute, like the torch loop)
    out = jnp.zeros_like(xf)
    for k in range(TOP_K):
        w_k = weights[:, k]
        for e in range(N_EXPERTS):
            mask = (top_idx[:, k] == e).astype(xf.dtype)
            # TernarySwiGLU depth=1: silu(w1 x) * (w2 x) -> w3
            h = jax.nn.silu(xf @ W1[e]) * (xf @ W2[e])
            y = h @ W3[e]
            out = out + (mask * w_k)[:, None] * y
    out = out.reshape(Bb, Tt, D)
    # aux load-balancing loss
    top1 = top_idx[:, 0]
    counts = jnp.bincount(top1, length=N_EXPERTS).astype(jnp.float32) / max(N, 1)
    aux = N_EXPERTS * jnp.sum(counts * probs.mean(axis=0))
    return (out, aux)

if __name__ == "__main__":
    import jax
    _d = setup_inputs()
    print(jax.jit(kernel)(*tuple(_d.values())))

</pallas_src>

<mosaic_0001>
#map = affine_map<(d0, d1) -> (0, 0)>
#map1 = affine_map<(d0, d1) -> (0)>
module attributes {stable_mosaic.version = 14 : i64} {
  func.func @disp(%arg0: i32, %arg1: i32, %arg2: memref<2048x896xf32, #tpu.memory_space<hbm>>, %arg3: memref<2048xi32, #tpu.memory_space<hbm>>, %arg4: memref<2048x896xf32, #tpu.memory_space<hbm>>, %arg5: memref<64x896xf32, #tpu.memory_space<vmem>>, %arg6: memref<64xi32, #tpu.memory_space<vmem>>, %arg7: memref<!tpu.dma_semaphore, #tpu.memory_space<semaphore_mem>>) attributes {dimension_semantics = [#tpu.dimension_semantics<core_parallel>, #tpu.dimension_semantics<subcore_parallel>], iteration_bounds = array<i64: 2, 16>, scalar_prefetch = 0 : i64, scratch_operands = 3 : i64, tpu.core_type = #tpu.core_type<sc_vector_subcore>, window_params = [{transform_indices = #map}, {transform_indices = #map1}, {transform_indices = #map}]} {
    %mul3A = arith.constant 2 : i32
    %mul3A_0 = arith.muli %arg1, %mul3A : i32
    %add3A = arith.addi %mul3A_0, %arg0 : i32
    %mul3A_1 = arith.constant 64 : i32
    %mul3A_2 = arith.muli %add3A, %mul3A_1 : i32
    "tpu.region"() ({
      %run_scoped3A = tpu.sem_alloc : memref<!tpu.dma_semaphore, #tpu.memory_space<semaphore_mem>>
      %dma_start3A_7 = tpu.memref_slice %arg3[%mul3A_2] : memref<2048xi32, #tpu.memory_space<hbm>> -> memref<64xi32, #tpu.memory_space<hbm>>
      %dma_start3A_8 = tpu.memref_slice %arg3[%mul3A_2] : memref<2048xi32, #tpu.memory_space<hbm>> -> memref<64xi32, #tpu.memory_space<hbm>>
      tpu.enqueue_dma source(%dma_start3A_8 : memref<64xi32, #tpu.memory_space<hbm>>) target(%arg6 : memref<64xi32, #tpu.memory_space<vmem>>) target_semaphore(%run_scoped3A : memref<!tpu.dma_semaphore, #tpu.memory_space<semaphore_mem>>)
      %dma_wait3A_9 = tpu.memref_slice %arg3[%mul3A_2] : memref<2048xi32, #tpu.memory_space<hbm>> -> memref<64xi32, #tpu.memory_space<hbm>>
      %dma_wait3A_10 = tpu.memref_slice %arg3[%mul3A_2] : memref<2048xi32, #tpu.memory_space<hbm>> -> memref<64xi32, #tpu.memory_space<hbm>>
      tpu.wait_dma2 semaphore(%run_scoped3A : memref<!tpu.dma_semaphore, #tpu.memory_space<semaphore_mem>>) src(%dma_wait3A_10 : memref<64xi32, #tpu.memory_space<hbm>>) dst(%arg6 : memref<64xi32, #tpu.memory_space<vmem>>)
      tpu.yield
    }) : () -> ()
    "tpu.region"() ({
      %run_scoped3A = tpu.sem_alloc : memref<!tpu.dma_semaphore, #tpu.memory_space<semaphore_mem>>
      %dma_start3A_7 = arith.constant 0 : i32
      %dma_start3A_8 = tpu.memref_slice %arg2[%mul3A_2, %dma_start3A_7] : memref<2048x896xf32, #tpu.memory_space<hbm>> -> memref<64x896xf32, #tpu.memory_space<hbm>>
      %dma_start3A_9 = arith.constant 0 : i32
      %dma_start3A_10 = tpu.memref_slice %arg2[%mul3A_2, %dma_start3A_9] : memref<2048x896xf32, #tpu.memory_space<hbm>> -> memref<64x896xf32, #tpu.memory_space<hbm>>
      tpu.enqueue_dma source(%dma_start3A_10 : memref<64x896xf32, #tpu.memory_space<hbm>>) target(%arg5 : memref<64x896xf32, #tpu.memory_space<vmem>>) target_semaphore(%run_scoped3A : memref<!tpu.dma_semaphore, #tpu.memory_space<semaphore_mem>>)
      %dma_wait3A_11 = arith.constant 0 : i32
      %dma_wait3A_12 = tpu.memref_slice %arg2[%mul3A_2, %dma_wait3A_11] : memref<2048x896xf32, #tpu.memory_space<hbm>> -> memref<64x896xf32, #tpu.memory_space<hbm>>
      %dma_wait3A_13 = arith.constant 0 : i32
      %dma_wait3A_14 = tpu.memref_slice %arg2[%mul3A_2, %dma_wait3A_13] : memref<2048x896xf32, #tpu.memory_space<hbm>> -> memref<64x896xf32, #tpu.memory_space<hbm>>
      tpu.wait_dma2 semaphore(%run_scoped3A : memref<!tpu.dma_semaphore, #tpu.memory_space<semaphore_mem>>) src(%dma_wait3A_14 : memref<64x896xf32, #tpu.memory_space<hbm>>) dst(%arg5 : memref<64x896xf32, #tpu.memory_space<vmem>>)
      tpu.yield
    }) : () -> ()
    %dma_start3A = arith.constant 0 : i32
    %dma_start3A_3 = arith.constant 0 : i32
    %dma_start3A_4 = tpu.memref_slice %arg4[%dma_start3A, %dma_start3A_3] : memref<2048x896xf32, #tpu.memory_space<hbm>> -> memref<2048x896xf32, #tpu.memory_space<hbm>>
    tpu.enqueue_indirect_dma source(%arg5 : memref<64x896xf32, #tpu.memory_space<vmem>>) target(%dma_start3A_4 : memref<2048x896xf32, #tpu.memory_space<hbm>>) offsets(%arg6 : memref<64xi32, #tpu.memory_space<vmem>>) semaphore(%arg7 : memref<!tpu.dma_semaphore, #tpu.memory_space<semaphore_mem>>)
    %dma_wait3A = arith.constant 0 : i32
    %dma_wait3A_5 = arith.constant 0 : i32
    %dma_wait3A_6 = tpu.memref_slice %arg4[%dma_wait3A, %dma_wait3A_5] : memref<2048x896xf32, #tpu.memory_space<hbm>> -> memref<2048x896xf32, #tpu.memory_space<hbm>>
    tpu.wait_indirect_dma semaphore(%arg7 : memref<!tpu.dma_semaphore, #tpu.memory_space<semaphore_mem>>) src(%arg5 : memref<64x896xf32, #tpu.memory_space<vmem>>) dst(%dma_wait3A_6 : memref<2048x896xf32, #tpu.memory_space<hbm>>)
    return
  }
}

#map = affine_map<(d0, d1) -> (0, 0)>
#map1 = affine_map<(d0, d1) -> (0)>
module attributes {stable_mosaic.version = 14 : i64} {
  func.func @comb(%arg0: i32, %arg1: i32, %arg2: memref<2048x768xf32, #tpu.memory_space<hbm>>, %arg3: memref<2048xi32, #tpu.memory_space<hbm>>, %arg4: memref<2048x768xf32, #tpu.memory_space<hbm>>, %arg5: memref<64xi32, #tpu.memory_space<vmem>>, %arg6: memref<64x768xf32, #tpu.memory_space<vmem>>, %arg7: memref<!tpu.dma_semaphore, #tpu.memory_space<semaphore_mem>>) attributes {dimension_semantics = [#tpu.dimension_semantics<core_parallel>, #tpu.dimension_semantics<subcore_parallel>], iteration_bounds = array<i64: 2, 16>, scalar_prefetch = 0 : i64, scratch_operands = 3 : i64, tpu.core_type = #tpu.core_type<sc_vector_subcore>, window_params = [{transform_indices = #map}, {transform_indices = #map1}, {transform_indices = #map}]} {
    %mul3A = arith.constant 2 : i32
    %mul3A_0 = arith.muli %arg1, %mul3A : i32
    %add3A = arith.addi %mul3A_0, %arg0 : i32
    %mul3A_1 = arith.constant 64 : i32
    %mul3A_2 = arith.muli %add3A, %mul3A_1 : i32
    "tpu.region"() ({
      %run_scoped3A = tpu.sem_alloc : memref<!tpu.dma_semaphore, #tpu.memory_space<semaphore_mem>>
      %dma_start3A_7 = tpu.memref_slice %arg3[%mul3A_2] : memref<2048xi32, #tpu.memory_space<hbm>> -> memref<64xi32, #tpu.memory_space<hbm>>
      %dma_start3A_8 = tpu.memref_slice %arg3[%mul3A_2] : memref<2048xi32, #tpu.memory_space<hbm>> -> memref<64xi32, #tpu.memory_space<hbm>>
      tpu.enqueue_dma source(%dma_start3A_8 : memref<64xi32, #tpu.memory_space<hbm>>) target(%arg5 : memref<64xi32, #tpu.memory_space<vmem>>) target_semaphore(%run_scoped3A : memref<!tpu.dma_semaphore, #tpu.memory_space<semaphore_mem>>)
      %dma_wait3A_9 = tpu.memref_slice %arg3[%mul3A_2] : memref<2048xi32, #tpu.memory_space<hbm>> -> memref<64xi32, #tpu.memory_space<hbm>>
      %dma_wait3A_10 = tpu.memref_slice %arg3[%mul3A_2] : memref<2048xi32, #tpu.memory_space<hbm>> -> memref<64xi32, #tpu.memory_space<hbm>>
      tpu.wait_dma2 semaphore(%run_scoped3A : memref<!tpu.dma_semaphore, #tpu.memory_space<semaphore_mem>>) src(%dma_wait3A_10 : memref<64xi32, #tpu.memory_space<hbm>>) dst(%arg5 : memref<64xi32, #tpu.memory_space<vmem>>)
      tpu.yield
    }) : () -> ()
    %dma_start3A = arith.constant 0 : i32
    %dma_start3A_3 = arith.constant 0 : i32
    %dma_start3A_4 = tpu.memref_slice %arg2[%dma_start3A, %dma_start3A_3] : memref<2048x768xf32, #tpu.memory_space<hbm>> -> memref<2048x768xf32, #tpu.memory_space<hbm>>
    tpu.enqueue_indirect_dma source(%dma_start3A_4 : memref<2048x768xf32, #tpu.memory_space<hbm>>) target(%arg6 : memref<64x768xf32, #tpu.memory_space<vmem>>) offsets(%arg5 : memref<64xi32, #tpu.memory_space<vmem>>) semaphore(%arg7 : memref<!tpu.dma_semaphore, #tpu.memory_space<semaphore_mem>>)
    %dma_wait3A = arith.constant 0 : i32
    %dma_wait3A_5 = arith.constant 0 : i32
    %dma_wait3A_6 = tpu.memref_slice %arg2[%dma_wait3A, %dma_wait3A_5] : memref<2048x768xf32, #tpu.memory_space<hbm>> -> memref<2048x768xf32, #tpu.memory_space<hbm>>
    tpu.wait_indirect_dma semaphore(%arg7 : memref<!tpu.dma_semaphore, #tpu.memory_space<semaphore_mem>>) src(%dma_wait3A_6 : memref<2048x768xf32, #tpu.memory_space<hbm>>) dst(%arg6 : memref<64x768xf32, #tpu.memory_space<vmem>>)
    "tpu.region"() ({
      %run_scoped3A = tpu.sem_alloc : memref<!tpu.dma_semaphore, #tpu.memory_space<semaphore_mem>>
      %dma_start3A_7 = arith.constant 0 : i32
      %dma_start3A_8 = tpu.memref_slice %arg4[%mul3A_2, %dma_start3A_7] : memref<2048x768xf32, #tpu.memory_space<hbm>> -> memref<64x768xf32, #tpu.memory_space<hbm>>
      %dma_start3A_9 = arith.constant 0 : i32
      %dma_start3A_10 = tpu.memref_slice %arg4[%mul3A_2, %dma_start3A_9] : memref<2048x768xf32, #tpu.memory_space<hbm>> -> memref<64x768xf32, #tpu.memory_space<hbm>>
      tpu.enqueue_dma source(%arg6 : memref<64x768xf32, #tpu.memory_space<vmem>>) target(%dma_start3A_10 : memref<64x768xf32, #tpu.memory_space<hbm>>) target_semaphore(%run_scoped3A : memref<!tpu.dma_semaphore, #tpu.memory_space<semaphore_mem>>)
      %dma_wait3A_11 = arith.constant 0 : i32
      %dma_wait3A_12 = tpu.memref_slice %arg4[%mul3A_2, %dma_wait3A_11] : memref<2048x768xf32, #tpu.memory_space<hbm>> -> memref<64x768xf32, #tpu.memory_space<hbm>>
      %dma_wait3A_13 = arith.constant 0 : i32
      %dma_wait3A_14 = tpu.memref_slice %arg4[%mul3A_2, %dma_wait3A_13] : memref<2048x768xf32, #tpu.memory_space<hbm>> -> memref<64x768xf32, #tpu.memory_space<hbm>>
      tpu.wait_dma2 semaphore(%run_scoped3A : memref<!tpu.dma_semaphore, #tpu.memory_space<semaphore_mem>>) src(%arg6 : memref<64x768xf32, #tpu.memory_space<vmem>>) dst(%dma_wait3A_14 : memref<64x768xf32, #tpu.memory_space<hbm>>)
      tpu.yield
    }) : () -> ()
    return
  }
}

module attributes {stable_mosaic.version = 14 : i64} {
  func.func @_router_body(%arg0: i32, %arg1: i32, %arg2: memref<512x768xf32, #tpu.memory_space<vmem>>, %arg3: memref<768x64xf32, #tpu.memory_space<vmem>>, %arg4: memref<512x896xf32, #tpu.memory_space<vmem>>, %arg5: memref<1x1x512xi32, #tpu.memory_space<vmem>>, %arg6: memref<5x1x128xi32, #tpu.memory_space<vmem>>, %arg7: memref<1x1x64xf32, #tpu.memory_space<vmem>>, %arg8: memref<1x64xf32, #tpu.memory_space<vmem>>, %arg9: memref<1x64xf32, #tpu.memory_space<vmem>>, %arg10: memref<4x1x512xi32, #tpu.memory_space<vmem>>, %arg11: memref<4x1x512xi32, #tpu.memory_space<vmem>>) attributes {dimension_semantics = [#tpu.dimension_semantics<arbitrary>, #tpu.dimension_semantics<arbitrary>], iteration_bounds = array<i64: 2, 4>, scalar_prefetch = 0 : i64, scratch_operands = 4 : i64, tpu.core_type = #tpu.core_type<tc>, window_params = [{transform_indices = @transform_0, window_bounds = array<i64: 512, 768>}, {pipeline_mode = #tpu.pipeline_mode<synchronous>, transform_indices = @transform_1, window_bounds = array<i64: 768, 64>}, {transform_indices = @transform_2, window_bounds = array<i64: 512, 896>}, {transform_indices = @transform_3, window_bounds = array<i64: 1, 1, 512>}, {pipeline_mode = #tpu.pipeline_mode<synchronous>, transform_indices = @transform_4, window_bounds = array<i64: 5, 1, 128>}, {pipeline_mode = #tpu.pipeline_mode<synchronous>, transform_indices = @transform_5, window_bounds = array<i64: 1, 1, 64>}]} {
    %eq3A = arith.constant 0 : i32
    %eq3A_0 = arith.cmpi eq, %arg0, %eq3A : i32
    %eq3A_1 = arith.constant 0 : i32
    %eq3A_2 = arith.cmpi eq, %arg1, %eq3A_1 : i32
    %and3A = arith.andi %eq3A_0, %eq3A_2 : i1
    %convert_element_type3A = arith.extui %and3A : i1 to i32
    %cond3A = arith.constant 0 : i32
    %cond3A_3 = arith.cmpi ne, %convert_element_type3A, %cond3A : i32
    scf.if %cond3A_3 {
      %broadcast_in_dim3A = arith.constant 0.000000e+00 : f32
      %broadcast_in_dim3A_22 = vector.broadcast %broadcast_in_dim3A : f32 to vector<1x64xf32>
      %swap3A = arith.constant 0 : index
      %swap3A_23 = arith.constant 0 : index
      %swap3A_24 = vector.load %arg8[%swap3A, %swap3A_23] : memref<1x64xf32, #tpu.memory_space<vmem>>, vector<1x64xf32>
      tpu.vector_store %arg8[%swap3A, %swap3A_23], %broadcast_in_dim3A_22 {strides = array<i32>} : memref<1x64xf32, #tpu.memory_space<vmem>>, vector<1x64xf32>,
      %broadcast_in_dim3A_25 = arith.constant 0.000000e+00 : f32
      %broadcast_in_dim3A_26 = vector.broadcast %broadcast_in_dim3A_25 : f32 to vector<1x64xf32>
      %swap3A_27 = arith.constant 0 : index
      %swap3A_28 = arith.constant 0 : index
      %swap3A_29 = vector.load %arg9[%swap3A_27, %swap3A_28] : memref<1x64xf32, #tpu.memory_space<vmem>>, vector<1x64xf32>
      tpu.vector_store %arg9[%swap3A_27, %swap3A_28], %broadcast_in_dim3A_26 {strides = array<i32>} : memref<1x64xf32, #tpu.memory_space<vmem>>, vector<1x64xf32>,
    } else {
    }
    %eq3A_4 = arith.constant 0 : i32
    %eq3A_5 = arith.cmpi eq, %arg0, %eq3A_4 : i32
    %convert_element_type3A_6 = arith.extui %eq3A_5 : i1 to i32
    %cond3A_7 = arith.constant 0 : i32
    %cond3A_8 = arith.cmpi ne, %convert_element_type3A_6, %cond3A_7 : i32
    scf.if %cond3A_8 {
      %get3A = arith.constant 0 : index
      %get3A_22 = arith.constant 0 : index
      %get3A_23 = vector.load %arg2[%get3A, %get3A_22] : memref<512x768xf32, #tpu.memory_space<vmem>>, vector<512x768xf32>
      %get3A_24 = arith.constant 0 : index
      %get3A_25 = arith.constant 0 : index
      %get3A_26 = vector.load %arg3[%get3A_24, %get3A_25] : memref<768x64xf32, #tpu.memory_space<vmem>>, vector<768x64xf32>
      %dot_general3A = arith.constant dense<0.000000e+00> : vector<512x64xf32>
      %dot_general3A_27 = tpu.matmul %get3A_23, %get3A_26, %dot_general3A {dimension_numbers = #tpu.dot_dimension_numbers<[1], [0], [0], [1], [0, 0, 1, 1], [], []>, transpose_lhs_hint = false} : vector<512x768xf32>, vector<768x64xf32>, vector<512x64xf32> -> vector<512x64xf32>
      %reduce_max3A = arith.constant dense<0xFF800000> : vector<512xf32>
      %reduce_max3A_28 = vector.multi_reduction <maximumf>, %dot_general3A_27, %reduce_max3A [1] : vector<512x64xf32> to vector<512xf32>
      %broadcast_in_dim3A = vector.shape_cast %reduce_max3A_28 : vector<512xf32> to vector<512x1xf32>
      %sub3A = vector.broadcast %broadcast_in_dim3A : vector<512x1xf32> to vector<512x64xf32>
      %sub3A_29 = arith.subf %dot_general3A_27, %sub3A : vector<512x64xf32>
      %exp3A = math.exp %sub3A_29 : vector<512x64xf32>
      %reduce_sum3A = arith.constant dense<0.000000e+00> : vector<512xf32>
      %reduce_sum3A_30 = vector.multi_reduction <add>, %exp3A, %reduce_sum3A [1] : vector<512x64xf32> to vector<512xf32>
      %broadcast_in_dim3A_31 = vector.shape_cast %reduce_sum3A_30 : vector<512xf32> to vector<512x1xf32>
      %div3A = vector.broadcast %broadcast_in_dim3A_31 : vector<512x1xf32> to vector<512x64xf32>
      %div3A_32 = arith.divf %exp3A, %div3A : vector<512x64xf32>
      %squeeze3A = vector.shape_cast %broadcast_in_dim3A_31 : vector<512x1xf32> to vector<512xf32>
      %div3A_33 = arith.constant 1.000000e+00 : f32
      %div3A_34 = vector.broadcast %div3A_33 : f32 to vector<512xf32>
      %div3A_35 = arith.divf %div3A_34, %squeeze3A : vector<512xf32>
      %add3A = arith.constant 9.99999971E-10 : f32
      %add3A_36 = vector.broadcast %add3A : f32 to vector<512xf32>
      %add3A_37 = arith.addf %div3A_35, %add3A_36 : vector<512xf32>
      %div3A_38 = arith.divf %div3A_35, %add3A_37 : vector<512xf32>
      %iota3A = tpu.iota {dimensions = array<i32: 1>} : vector<512x64xi32>
      %eq3A_39 = vector.broadcast %broadcast_in_dim3A : vector<512x1xf32> to vector<512x64xf32>
      %eq3A_40 = arith.cmpf oeq, %dot_general3A_27, %eq3A_39 : vector<512x64xf32>
      %jit3A = arith.constant 64 : i32
      %broadcast_in_dim3A_41 = vector.broadcast %jit3A : i32 to vector<512x64xi32>
      %select_n3A = arith.select %eq3A_40, %iota3A, %broadcast_in_dim3A_41 : vector<512x64xi1>, vector<512x64xi32>
      %reduce_min3A = arith.constant dense<2147483647> : vector<512xi32>
      %reduce_min3A_42 = vector.multi_reduction <minsi>, %select_n3A, %reduce_min3A [1] : vector<512x64xi32> to vector<512xi32>
      %broadcast_in_dim3A_43 = vector.shape_cast %reduce_min3A_42 : vector<512xi32> to vector<512x1xi32>
      %eq3A_44 = vector.broadcast %broadcast_in_dim3A_43 : vector<512x1xi32> to vector<512x64xi32>
      %eq3A_45 = arith.cmpi eq, %iota3A, %eq3A_44 : vector<512x64xi32>
      %convert_element_type3A_46 = arith.extui %eq3A_45 : vector<512x64xi1> to vector<512x64xi32>
      %convert_element_type3A_47 = arith.sitofp %convert_element_type3A_46 : vector<512x64xi32> to vector<512x64xf32>
      %iota3A_48 = tpu.iota {dimensions = array<i32: 0>} : vector<512x512xi32>
      %iota3A_49 = tpu.iota {dimensions = array<i32: 1>} : vector<512x512xi32>
      %lt3A = arith.cmpi slt, %iota3A_49, %iota3A_48 : vector<512x512xi32>
      %convert_element_type3A_50 = arith.extui %lt3A : vector<512x512xi1> to vector<512x512xi32>
      %convert_element_type3A_51 = arith.sitofp %convert_element_type3A_50 : vector<512x512xi32> to vector<512x512xf32>
      %dot_general3A_52 = arith.constant dense<0.000000e+00> : vector<512x64xf32>
      %dot_general3A_53 = tpu.matmul %convert_element_type3A_51, %convert_element_type3A_47, %dot_general3A_52 {dimension_numbers = #tpu.dot_dimension_numbers<[1], [0], [0], [1], [0, 0, 1, 1], [], []>, transpose_lhs_hint = false} : vector<512x512xf32>, vector<512x64xf32>, vector<512x64xf32> -> vector<512x64xf32>
      %mul3A = arith.mulf %dot_general3A_53, %convert_element_type3A_47 : vector<512x64xf32>
      %reduce_sum3A_54 = arith.constant dense<0.000000e+00> : vector<512xf32>
      %reduce_sum3A_55 = vector.multi_reduction <add>, %mul3A, %reduce_sum3A_54 [1] : vector<512x64xf32> to vector<512xf32>
      %get3A_56 = arith.constant 0 : index
      %get3A_57 = arith.constant 0 : index
      %get3A_58 = vector.load %arg8[%get3A_56, %get3A_57] : memref<1x64xf32, #tpu.memory_space<vmem>>, vector<1x64xf32>
      %mul3A_59 = vector.broadcast %get3A_58 : vector<1x64xf32> to vector<512x64xf32>
      %mul3A_60 = arith.mulf %mul3A_59, %convert_element_type3A_47 : vector<512x64xf32>
      %reduce_sum3A_61 = arith.constant dense<0.000000e+00> : vector<512xf32>
      %reduce_sum3A_62 = vector.multi_reduction <add>, %mul3A_60, %reduce_sum3A_61 [1] : vector<512x64xf32> to vector<512xf32>
      %add3A_63 = arith.addf %reduce_sum3A_55, %reduce_sum3A_62 : vector<512xf32>
      %swap3A = arith.index_cast %arg1 : i32 to index
      %swap3A_64 = arith.constant 0 : index
      %swap3A_65 = arith.constant 0 : index
      %swap3A_66 = vector.load %arg10[%swap3A, %swap3A_64, %swap3A_65] : memref<4x1x512xi32, #tpu.memory_space<vmem>>, vector<1x1x512xi32>
      %swap3A_67 = vector.shape_cast %swap3A_66 : vector<1x1x512xi32> to vector<512xi32>
      %swap3A_68 = vector.shape_cast %reduce_min3A_42 : vector<512xi32> to vector<1x1x512xi32>
      tpu.vector_store %arg10[%swap3A, %swap3A_64, %swap3A_65], %swap3A_68 {strides = array<i32>} : memref<4x1x512xi32, #tpu.memory_space<vmem>>, vector<1x1x512xi32>,
      %convert_element_type3A_69 = arith.fptosi %add3A_63 : vector<512xf32> to vector<512xi32>
      %swap3A_70 = arith.index_cast %arg1 : i32 to index
      %swap3A_71 = arith.constant 0 : index
      %swap3A_72 = arith.constant 0 : index
      %swap3A_73 = vector.load %arg11[%swap3A_70, %swap3A_71, %swap3A_72] : memref<4x1x512xi32, #tpu.memory_space<vmem>>, vector<1x1x512xi32>
      %swap3A_74 = vector.shape_cast %swap3A_73 : vector<1x1x512xi32> to vector<512xi32>
      %swap3A_75 = vector.shape_cast %convert_element_type3A_69 : vector<512xi32> to vector<1x1x512xi32>
      tpu.vector_store %arg11[%swap3A_70, %swap3A_71, %swap3A_72], %swap3A_75 {strides = array<i32>} : memref<4x1x512xi32, #tpu.memory_space<vmem>>, vector<1x1x512xi32>,
      %broadcast_in_dim3A_76 = vector.shape_cast %div3A_38 : vector<512xf32> to vector<512x1xf32>
      %broadcast_in_dim3A_77 = vector.shape_cast %broadcast_in_dim3A_76 : vector<512x1xf32> to vector<512x1xf32>
      %broadcast_in_dim3A_78 = vector.broadcast %broadcast_in_dim3A_77 : vector<512x1xf32> to vector<512x128xf32>
      %concatenate3A = tpu.concatenate %get3A_23, %broadcast_in_dim3A_78 in 1 : vector<512x768xf32>, vector<512x128xf32> -> vector<512x896xf32>
      %swap3A_79 = arith.constant 0 : index
      %swap3A_80 = arith.constant 0 : index
      %swap3A_81 = vector.load %arg4[%swap3A_79, %swap3A_80] : memref<512x896xf32, #tpu.memory_space<vmem>>, vector<512x896xf32>
      tpu.vector_store %arg4[%swap3A_79, %swap3A_80], %concatenate3A {strides = array<i32>} : memref<512x896xf32, #tpu.memory_space<vmem>>, vector<512x896xf32>,
      %reduce_sum3A_82 = arith.constant dense<0.000000e+00> : vector<64xf32>
      %reduce_sum3A_83 = vector.multi_reduction <add>, %convert_element_type3A_47, %reduce_sum3A_82 [0] : vector<512x64xf32> to vector<64xf32>
      %broadcast_in_dim3A_84 = vector.shape_cast %reduce_sum3A_83 : vector<64xf32> to vector<1x64xf32>
      %add3A_85 = arith.addf %get3A_58, %broadcast_in_dim3A_84 : vector<1x64xf32>
      %swap3A_86 = arith.constant 0 : index
      %swap3A_87 = arith.constant 0 : index
      %swap3A_88 = vector.load %arg8[%swap3A_86, %swap3A_87] : memref<1x64xf32, #tpu.memory_space<vmem>>, vector<1x64xf32>
      tpu.vector_store %arg8[%swap3A_86, %swap3A_87], %add3A_85 {strides = array<i32>} : memref<1x64xf32, #tpu.memory_space<vmem>>, vector<1x64xf32>,
      %get3A_89 = arith.constant 0 : index
      %get3A_90 = arith.constant 0 : index
      %get3A_91 = vector.load %arg9[%get3A_89, %get3A_90] : memref<1x64xf32, #tpu.memory_space<vmem>>, vector<1x64xf32>
      %reduce_sum3A_92 = arith.constant dense<0.000000e+00> : vector<64xf32>
      %reduce_sum3A_93 = vector.multi_reduction <add>, %div3A_32, %reduce_sum3A_92 [0] : vector<512x64xf32> to vector<64xf32>
      %broadcast_in_dim3A_94 = vector.shape_cast %reduce_sum3A_93 : vector<64xf32> to vector<1x64xf32>
      %add3A_95 = arith.addf %get3A_91, %broadcast_in_dim3A_94 : vector<1x64xf32>
      %swap3A_96 = arith.constant 0 : index
      %swap3A_97 = arith.constant 0 : index
      %swap3A_98 = vector.load %arg9[%swap3A_96, %swap3A_97] : memref<1x64xf32, #tpu.memory_space<vmem>>, vector<1x64xf32>
      tpu.vector_store %arg9[%swap3A_96, %swap3A_97], %add3A_95 {strides = array<i32>} : memref<1x64xf32, #tpu.memory_space<vmem>>, vector<1x64xf32>,
    } else {
    }
    %eq3A_9 = arith.constant 1 : i32
    %eq3A_10 = arith.cmpi eq, %arg0, %eq3A_9 : i32
    %convert_element_type3A_11 = arith.extui %eq3A_10 : i1 to i32
    %cond3A_12 = arith.constant 0 : i32
    %cond3A_13 = arith.cmpi ne, %convert_element_type3A_11, %cond3A_12 : i32
    scf.if %cond3A_13 {
      %get3A = arith.constant 0 : index
      %get3A_22 = arith.constant 0 : index
      %get3A_23 = vector.load %arg8[%get3A, %get3A_22] : memref<1x64xf32, #tpu.memory_space<vmem>>, vector<1x64xf32>
      %iota3A = tpu.iota {dimensions = array<i32: 0>} : vector<64x64xi32>
      %iota3A_24 = tpu.iota {dimensions = array<i32: 1>} : vector<64x64xi32>
      %lt3A = arith.cmpi slt, %iota3A, %iota3A_24 : vector<64x64xi32>
      %convert_element_type3A_25 = arith.extui %lt3A : vector<64x64xi1> to vector<64x64xi32>
      %convert_element_type3A_26 = arith.sitofp %convert_element_type3A_25 : vector<64x64xi32> to vector<64x64xf32>
      %dot_general3A = arith.constant dense<0.000000e+00> : vector<1x64xf32>
      %dot_general3A_27 = tpu.matmul %get3A_23, %convert_element_type3A_26, %dot_general3A {dimension_numbers = #tpu.dot_dimension_numbers<[1], [0], [0], [1], [0, 0, 1, 1], [], []>, transpose_lhs_hint = false} : vector<1x64xf32>, vector<64x64xf32>, vector<1x64xf32> -> vector<1x64xf32>
      %squeeze3A = vector.shape_cast %dot_general3A_27 : vector<1x64xf32> to vector<64xf32>
      %get3A_28 = arith.index_cast %arg1 : i32 to index
      %get3A_29 = arith.constant 0 : index
      %get3A_30 = arith.constant 0 : index
      %get3A_31 = vector.load %arg10[%get3A_28, %get3A_29, %get3A_30] : memref<4x1x512xi32, #tpu.memory_space<vmem>>, vector<1x1x512xi32>
      %get3A_32 = vector.shape_cast %get3A_31 : vector<1x1x512xi32> to vector<512xi32>
      %iota3A_33 = tpu.iota {dimensions = array<i32: 1>} : vector<512x64xi32>
      %broadcast_in_dim3A = vector.shape_cast %get3A_32 : vector<512xi32> to vector<512x1xi32>
      %eq3A_34 = vector.broadcast %broadcast_in_dim3A : vector<512x1xi32> to vector<512x64xi32>
      %eq3A_35 = arith.cmpi eq, %iota3A_33, %eq3A_34 : vector<512x64xi32>
      %convert_element_type3A_36 = arith.extui %eq3A_35 : vector<512x64xi1> to vector<512x64xi32>
      %convert_element_type3A_37 = arith.sitofp %convert_element_type3A_36 : vector<512x64xi32> to vector<512x64xf32>
      %broadcast_in_dim3A_38 = vector.shape_cast %squeeze3A : vector<64xf32> to vector<1x64xf32>
      %mul3A = vector.broadcast %broadcast_in_dim3A_38 : vector<1x64xf32> to vector<512x64xf32>
      %mul3A_39 = arith.mulf %convert_element_type3A_37, %mul3A : vector<512x64xf32>
      %reduce_sum3A = arith.constant dense<0.000000e+00> : vector<512xf32>
      %reduce_sum3A_40 = vector.multi_reduction <add>, %mul3A_39, %reduce_sum3A [1] : vector<512x64xf32> to vector<512xf32>
      %get3A_41 = arith.index_cast %arg1 : i32 to index
      %get3A_42 = arith.constant 0 : index
      %get3A_43 = arith.constant 0 : index
      %get3A_44 = vector.load %arg11[%get3A_41, %get3A_42, %get3A_43] : memref<4x1x512xi32, #tpu.memory_space<vmem>>, vector<1x1x512xi32>
      %get3A_45 = vector.shape_cast %get3A_44 : vector<1x1x512xi32> to vector<512xi32>
      %convert_element_type3A_46 = arith.fptosi %reduce_sum3A_40 : vector<512xf32> to vector<512xi32>
      %add3A = arith.addi %get3A_45, %convert_element_type3A_46 : vector<512xi32>
      %reshape3A = vector.shape_cast %add3A : vector<512xi32> to vector<1x1x512xi32>
      %swap3A = arith.constant 0 : index
      %swap3A_47 = arith.constant 0 : index
      %swap3A_48 = arith.constant 0 : index
      %swap3A_49 = vector.load %arg5[%swap3A, %swap3A_47, %swap3A_48] : memref<1x1x512xi32, #tpu.memory_space<vmem>>, vector<1x1x512xi32>
      tpu.vector_store %arg5[%swap3A, %swap3A_47, %swap3A_48], %reshape3A {strides = array<i32>} : memref<1x1x512xi32, #tpu.memory_space<vmem>>, vector<1x1x512xi32>,
    } else {
    }
    %eq3A_14 = arith.constant 1 : i32
    %eq3A_15 = arith.cmpi eq, %arg0, %eq3A_14 : i32
    %eq3A_16 = arith.constant 0 : i32
    %eq3A_17 = arith.cmpi eq, %arg1, %eq3A_16 : i32
    %and3A_18 = arith.andi %eq3A_15, %eq3A_17 : i1
    %convert_element_type3A_19 = arith.extui %and3A_18 : i1 to i32
    %cond3A_20 = arith.constant 0 : i32
    %cond3A_21 = arith.cmpi ne, %convert_element_type3A_19, %cond3A_20 : i32
    scf.if %cond3A_21 {
      %get3A = arith.constant 0 : index
      %get3A_22 = arith.constant 0 : index
      %get3A_23 = vector.load %arg8[%get3A, %get3A_22] : memref<1x64xf32, #tpu.memory_space<vmem>>, vector<1x64xf32>
      %get3A_24 = arith.constant 0 : index
      %get3A_25 = arith.constant 0 : index
      %get3A_26 = vector.load %arg9[%get3A_24, %get3A_25] : memref<1x64xf32, #tpu.memory_space<vmem>>, vector<1x64xf32>
      %mul3A = arith.mulf %get3A_23, %get3A_26 : vector<1x64xf32>
      %reduce_sum3A = vector.shape_cast %mul3A : vector<1x64xf32> to vector<1x1x64xf32>
      %reduce_sum3A_27 = arith.constant dense<0.000000e+00> : vector<1xf32>
      %reduce_sum3A_28 = vector.multi_reduction <add>, %reduce_sum3A, %reduce_sum3A_27 [1, 2] : vector<1x1x64xf32> to vector<1xf32>
      %reduce_sum3A_29 = vector.shape_cast %reduce_sum3A_28 : vector<1xf32> to vector<1x1x1xf32>
      %reduce_sum3A_30 = vector.extract %reduce_sum3A_29[0, 0, 0] : f32 from vector<1x1x1xf32>
      %mul3A_31 = arith.constant 6.400000e+01 : f32
      %mul3A_32 = arith.mulf %mul3A_31, %reduce_sum3A_30 : f32
      %div3A = arith.constant 0x4A800000 : f32
      %div3A_33 = arith.divf %mul3A_32, %div3A : f32
      %broadcast_in_dim3A = vector.broadcast %div3A_33 : f32 to vector<1x1x64xf32>
      %swap3A = arith.constant 0 : index
      %swap3A_34 = arith.constant 0 : index
      %swap3A_35 = arith.constant 0 : index
      %swap3A_36 = vector.load %arg7[%swap3A, %swap3A_34, %swap3A_35] : memref<1x1x64xf32, #tpu.memory_space<vmem>>, vector<1x1x64xf32>
      tpu.vector_store %arg7[%swap3A, %swap3A_34, %swap3A_35], %broadcast_in_dim3A {strides = array<i32>} : memref<1x1x64xf32, #tpu.memory_space<vmem>>, vector<1x1x64xf32>,
      %squeeze3A = vector.shape_cast %get3A_23 : vector<1x64xf32> to vector<64xf32>
      %iota3A = tpu.iota {dimensions = array<i32: 0>} : vector<64x64xi32>
      %iota3A_37 = tpu.iota {dimensions = array<i32: 1>} : vector<64x64xi32>
      %lt3A = arith.cmpi slt, %iota3A, %iota3A_37 : vector<64x64xi32>
      %convert_element_type3A_38 = arith.extui %lt3A : vector<64x64xi1> to vector<64x64xi32>
      %convert_element_type3A_39 = arith.sitofp %convert_element_type3A_38 : vector<64x64xi32> to vector<64x64xf32>
      %dot_general3A = arith.constant dense<0.000000e+00> : vector<1x64xf32>
      %dot_general3A_40 = tpu.matmul %get3A_23, %convert_element_type3A_39, %dot_general3A {dimension_numbers = #tpu.dot_dimension_numbers<[1], [0], [0], [1], [0, 0, 1, 1], [], []>, transpose_lhs_hint = false} : vector<1x64xf32>, vector<64x64xf32>, vector<1x64xf32> -> vector<1x64xf32>
      %squeeze3A_41 = vector.shape_cast %dot_general3A_40 : vector<1x64xf32> to vector<64xf32>
      %add3A = arith.addf %squeeze3A_41, %squeeze3A : vector<64xf32>
      %div3A_42 = arith.constant 2.560000e+02 : f32
      %div3A_43 = vector.broadcast %div3A_42 : f32 to vector<64xf32>
      %div3A_44 = arith.divf %squeeze3A_41, %div3A_43 : vector<64xf32>
      %floor3A = math.floor %div3A_44 : vector<64xf32>
      %sub3A = arith.constant 1.000000e+00 : f32
      %sub3A_45 = vector.broadcast %sub3A : f32 to vector<64xf32>
      %sub3A_46 = arith.subf %add3A, %sub3A_45 : vector<64xf32>
      %div3A_47 = arith.constant 2.560000e+02 : f32
      %div3A_48 = vector.broadcast %div3A_47 : f32 to vector<64xf32>
      %div3A_49 = arith.divf %sub3A_46, %div3A_48 : vector<64xf32>
      %floor3A_50 = math.floor %div3A_49 : vector<64xf32>
      %gt3A = arith.constant 0.000000e+00 : f32
      %gt3A_51 = vector.broadcast %gt3A : f32 to vector<64xf32>
      %gt3A_52 = arith.cmpf ogt, %squeeze3A, %gt3A_51 : vector<64xf32>
      %sub3A_53 = arith.subf %floor3A_50, %floor3A : vector<64xf32>
      %add3A_54 = arith.constant 1.000000e+00 : f32
      %add3A_55 = vector.broadcast %add3A_54 : f32 to vector<64xf32>
      %add3A_56 = arith.addf %sub3A_53, %add3A_55 : vector<64xf32>
      %jit3A = arith.constant 0.000000e+00 : f32
      %broadcast_in_dim3A_57 = vector.broadcast %jit3A : f32 to vector<64xf32>
      %select_n3A = arith.select %gt3A_52, %add3A_56, %broadcast_in_dim3A_57 : vector<64xi1>, vector<64xf32>
      %iota3A_58 = tpu.iota {dimensions = array<i32: 0>} : vector<64x64xi32>
      %iota3A_59 = tpu.iota {dimensions = array<i32: 1>} : vector<64x64xi32>
      %le3A = arith.cmpi sle, %iota3A_58, %iota3A_59 : vector<64x64xi32>
      %convert_element_type3A_60 = arith.extui %le3A : vector<64x64xi1> to vector<64x64xi32>
      %convert_element_type3A_61 = arith.sitofp %convert_element_type3A_60 : vector<64x64xi32> to vector<64x64xf32>
      %reshape3A = vector.shape_cast %select_n3A : vector<64xf32> to vector<1x64xf32>
      %dot_general3A_62 = arith.constant dense<0.000000e+00> : vector<1x64xf32>
      %dot_general3A_63 = tpu.matmul %reshape3A, %convert_element_type3A_61, %dot_general3A_62 {dimension_numbers = #tpu.dot_dimension_numbers<[1], [0], [0], [1], [0, 0, 1, 1], [], []>, transpose_lhs_hint = false} : vector<1x64xf32>, vector<64x64xf32>, vector<1x64xf32> -> vector<1x64xf32>
      %squeeze3A_64 = vector.shape_cast %dot_general3A_63 : vector<1x64xf32> to vector<64xf32>
      %reduce_sum3A_65 = vector.shape_cast %select_n3A : vector<64xf32> to vector<1x64xf32>
      %reduce_sum3A_66 = arith.constant dense<0.000000e+00> : vector<1xf32>
      %reduce_sum3A_67 = vector.multi_reduction <add>, %reduce_sum3A_65, %reduce_sum3A_66 [1] : vector<1x64xf32> to vector<1xf32>
      %reduce_sum3A_68 = vector.shape_cast %reduce_sum3A_67 : vector<1xf32> to vector<1x1xf32>
      %reduce_sum3A_69 = vector.extract %reduce_sum3A_68[0, 0] : f32 from vector<1x1xf32>
      %iota3A_70 = tpu.iota {dimensions = array<i32: 0>} : vector<128x1xi32>
      %convert_element_type3A_71 = arith.sitofp %iota3A_70 : vector<128x1xi32> to vector<128x1xf32>
      %broadcast_in_dim3A_72 = vector.shape_cast %squeeze3A_64 : vector<64xf32> to vector<1x64xf32>
      %le3A_73 = vector.broadcast %broadcast_in_dim3A_72 : vector<1x64xf32> to vector<128x64xf32>
      %le3A_74 = vector.broadcast %convert_element_type3A_71 : vector<128x1xf32> to vector<128x64xf32>
      %le3A_75 = arith.cmpf ole, %le3A_73, %le3A_74 : vector<128x64xf32>
      %convert_element_type3A_76 = arith.extui %le3A_75 : vector<128x64xi1> to vector<128x64xi32>
      %convert_element_type3A_77 = arith.sitofp %convert_element_type3A_76 : vector<128x64xi32> to vector<128x64xf32>
      %reduce_sum3A_78 = arith.constant dense<0.000000e+00> : vector<128xf32>
      %reduce_sum3A_79 = vector.multi_reduction <add>, %convert_element_type3A_77, %reduce_sum3A_78 [1] : vector<128x64xf32> to vector<128xf32>
      %min3A = arith.constant 6.300000e+01 : f32
      %min3A_80 = vector.broadcast %min3A : f32 to vector<128xf32>
      %min3A_81 = arith.minimumf %reduce_sum3A_79, %min3A_80 : vector<128xf32>
      %sub3A_82 = arith.constant 1.000000e+00 : f32
      %sub3A_83 = arith.subf %reduce_sum3A_69, %sub3A_82 : f32
      %le3A_84 = vector.broadcast %sub3A_83 : f32 to vector<64xf32>
      %le3A_85 = arith.cmpf ole, %squeeze3A_64, %le3A_84 : vector<64xf32>
      %convert_element_type3A_86 = arith.extui %le3A_85 : vector<64xi1> to vector<64xi32>
      %convert_element_type3A_87 = arith.sitofp %convert_element_type3A_86 : vector<64xi32> to vector<64xf32>
      %reduce_sum3A_88 = vector.shape_cast %convert_element_type3A_87 : vector<64xf32> to vector<1x64xf32>
      %reduce_sum3A_89 = arith.constant dense<0.000000e+00> : vector<1xf32>
      %reduce_sum3A_90 = vector.multi_reduction <add>, %reduce_sum3A_88, %reduce_sum3A_89 [1] : vector<1x64xf32> to vector<1xf32>
      %reduce_sum3A_91 = vector.shape_cast %reduce_sum3A_90 : vector<1xf32> to vector<1x1xf32>
      %reduce_sum3A_92 = vector.extract %reduce_sum3A_91[0, 0] : f32 from vector<1x1xf32>
      %min3A_93 = arith.constant 6.300000e+01 : f32
      %min3A_94 = arith.minimumf %reduce_sum3A_92, %min3A_93 : f32
      %squeeze3A_95 = vector.shape_cast %convert_element_type3A_71 : vector<128x1xf32> to vector<128xf32>
      %lt3A_96 = vector.broadcast %reduce_sum3A_69 : f32 to vector<128xf32>
      %lt3A_97 = arith.cmpf olt, %squeeze3A_95, %lt3A_96 : vector<128xf32>
      %broadcast_in_dim3A_98 = vector.broadcast %min3A_94 : f32 to vector<128xf32>
      %select_n3A_99 = arith.select %lt3A_97, %min3A_81, %broadcast_in_dim3A_98 : vector<128xi1>, vector<128xf32>
      %iota3A_100 = tpu.iota {dimensions = array<i32: 1>} : vector<128x64xi32>
      %convert_element_type3A_101 = arith.sitofp %iota3A_100 : vector<128x64xi32> to vector<128x64xf32>
      %broadcast_in_dim3A_102 = vector.shape_cast %select_n3A_99 : vector<128xf32> to vector<128x1xf32>
      %eq3A_103 = vector.broadcast %broadcast_in_dim3A_102 : vector<128x1xf32> to vector<128x64xf32>
      %eq3A_104 = arith.cmpf oeq, %convert_element_type3A_101, %eq3A_103 : vector<128x64xf32>
      %convert_element_type3A_105 = arith.extui %eq3A_104 : vector<128x64xi1> to vector<128x64xi32>
      %convert_element_type3A_106 = arith.sitofp %convert_element_type3A_105 : vector<128x64xi32> to vector<128x64xf32>
      %broadcast_in_dim3A_107 = vector.shape_cast %squeeze3A_64 : vector<64xf32> to vector<1x64xf32>
      %mul3A_108 = vector.broadcast %broadcast_in_dim3A_107 : vector<1x64xf32> to vector<128x64xf32>
      %mul3A_109 = arith.mulf %convert_element_type3A_106, %mul3A_108 : vector<128x64xf32>
      %reduce_sum3A_110 = arith.constant dense<0.000000e+00> : vector<128xf32>
      %reduce_sum3A_111 = vector.multi_reduction <add>, %mul3A_109, %reduce_sum3A_110 [1] : vector<128x64xf32> to vector<128xf32>
      %broadcast_in_dim3A_112 = vector.shape_cast %select_n3A : vector<64xf32> to vector<1x64xf32>
      %mul3A_113 = vector.broadcast %broadcast_in_dim3A_112 : vector<1x64xf32> to vector<128x64xf32>
      %mul3A_114 = arith.mulf %convert_element_type3A_106, %mul3A_113 : vector<128x64xf32>
      %reduce_sum3A_115 = arith.constant dense<0.000000e+00> : vector<128xf32>
      %reduce_sum3A_116 = vector.multi_reduction <add>, %mul3A_114, %reduce_sum3A_115 [1] : vector<128x64xf32> to vector<128xf32>
      %sub3A_117 = arith.subf %reduce_sum3A_111, %reduce_sum3A_116 : vector<128xf32>
      %broadcast_in_dim3A_118 = vector.shape_cast %floor3A : vector<64xf32> to vector<1x64xf32>
      %mul3A_119 = vector.broadcast %broadcast_in_dim3A_118 : vector<1x64xf32> to vector<128x64xf32>
      %mul3A_120 = arith.mulf %convert_element_type3A_106, %mul3A_119 : vector<128x64xf32>
      %reduce_sum3A_121 = arith.constant dense<0.000000e+00> : vector<128xf32>
      %reduce_sum3A_122 = vector.multi_reduction <add>, %mul3A_120, %reduce_sum3A_121 [1] : vector<128x64xf32> to vector<128xf32>
      %squeeze3A_123 = vector.shape_cast %convert_element_type3A_71 : vector<128x1xf32> to vector<128xf32>
      %add3A_124 = arith.addf %reduce_sum3A_122, %squeeze3A_123 : vector<128xf32>
      %sub3A_125 = arith.subf %add3A_124, %sub3A_117 : vector<128xf32>
      %squeeze3A_126 = vector.shape_cast %convert_element_type3A_71 : vector<128x1xf32> to vector<128xf32>
      %lt3A_127 = vector.broadcast %reduce_sum3A_69 : f32 to vector<128xf32>
      %lt3A_128 = arith.cmpf olt, %squeeze3A_126, %lt3A_127 : vector<128xf32>
      %jit3A_129 = arith.constant 7.000000e+00 : f32
      %broadcast_in_dim3A_130 = vector.broadcast %jit3A_129 : f32 to vector<128xf32>
      %select_n3A_131 = arith.select %lt3A_128, %sub3A_125, %broadcast_in_dim3A_130 : vector<128xi1>, vector<128xf32>
      %broadcast_in_dim3A_132 = vector.shape_cast %squeeze3A_41 : vector<64xf32> to vector<1x64xf32>
      %mul3A_133 = vector.broadcast %broadcast_in_dim3A_132 : vector<1x64xf32> to vector<128x64xf32>
      %mul3A_134 = arith.mulf %convert_element_type3A_106, %mul3A_133 : vector<128x64xf32>
      %reduce_sum3A_135 = arith.constant dense<0.000000e+00> : vector<128xf32>
      %reduce_sum3A_136 = vector.multi_reduction <add>, %mul3A_134, %reduce_sum3A_135 [1] : vector<128x64xf32> to vector<128xf32>
      %mul3A_137 = arith.constant 2.560000e+02 : f32
      %mul3A_138 = vector.broadcast %mul3A_137 : f32 to vector<128xf32>
      %mul3A_139 = arith.mulf %select_n3A_131, %mul3A_138 : vector<128xf32>
      %sub3A_140 = arith.subf %reduce_sum3A_136, %mul3A_139 : vector<128xf32>
      %max3A = arith.constant 0.000000e+00 : f32
      %max3A_141 = vector.broadcast %max3A : f32 to vector<128xf32>
      %max3A_142 = arith.maximumf %sub3A_140, %max3A_141 : vector<128xf32>
      %jit3A_143 = arith.constant 0.000000e+00 : f32
      %broadcast_in_dim3A_144 = vector.broadcast %jit3A_143 : f32 to vector<128xf32>
      %select_n3A_145 = arith.select %lt3A_128, %max3A_142, %broadcast_in_dim3A_144 : vector<128xi1>, vector<128xf32>
      %broadcast_in_dim3A_146 = vector.shape_cast %add3A : vector<64xf32> to vector<1x64xf32>
      %mul3A_147 = vector.broadcast %broadcast_in_dim3A_146 : vector<1x64xf32> to vector<128x64xf32>
      %mul3A_148 = arith.mulf %convert_element_type3A_106, %mul3A_147 : vector<128x64xf32>
      %reduce_sum3A_149 = arith.constant dense<0.000000e+00> : vector<128xf32>
      %reduce_sum3A_150 = vector.multi_reduction <add>, %mul3A_148, %reduce_sum3A_149 [1] : vector<128x64xf32> to vector<128xf32>
      %mul3A_151 = arith.constant 2.560000e+02 : f32
      %mul3A_152 = vector.broadcast %mul3A_151 : f32 to vector<128xf32>
      %mul3A_153 = arith.mulf %select_n3A_131, %mul3A_152 : vector<128xf32>
      %sub3A_154 = arith.subf %reduce_sum3A_150, %mul3A_153 : vector<128xf32>
      %min3A_155 = arith.constant 2.560000e+02 : f32
      %min3A_156 = vector.broadcast %min3A_155 : f32 to vector<128xf32>
      %min3A_157 = arith.minimumf %sub3A_154, %min3A_156 : vector<128xf32>
      %jit3A_158 = arith.constant 0.000000e+00 : f32
      %broadcast_in_dim3A_159 = vector.broadcast %jit3A_158 : f32 to vector<128xf32>
      %select_n3A_160 = arith.select %lt3A_128, %min3A_157, %broadcast_in_dim3A_159 : vector<128xi1>, vector<128xf32>
      %sub3A_161 = arith.constant 1.000000e+00 : f32
      %sub3A_162 = vector.broadcast %sub3A_161 : f32 to vector<128x1xf32>
      %sub3A_163 = arith.subf %convert_element_type3A_71, %sub3A_162 : vector<128x1xf32>
      %max3A_164 = arith.constant 0.000000e+00 : f32
      %max3A_165 = vector.broadcast %max3A_164 : f32 to vector<128x1xf32>
      %max3A_166 = arith.maximumf %sub3A_163, %max3A_165 : vector<128x1xf32>
      %broadcast_in_dim3A_167 = vector.shape_cast %squeeze3A_64 : vector<64xf32> to vector<1x64xf32>
      %le3A_168 = vector.broadcast %broadcast_in_dim3A_167 : vector<1x64xf32> to vector<128x64xf32>
      %le3A_169 = vector.broadcast %max3A_166 : vector<128x1xf32> to vector<128x64xf32>
      %le3A_170 = arith.cmpf ole, %le3A_168, %le3A_169 : vector<128x64xf32>
      %convert_element_type3A_171 = arith.extui %le3A_170 : vector<128x64xi1> to vector<128x64xi32>
      %convert_element_type3A_172 = arith.sitofp %convert_element_type3A_171 : vector<128x64xi32> to vector<128x64xf32>
      %reduce_sum3A_173 = arith.constant dense<0.000000e+00> : vector<128xf32>
      %reduce_sum3A_174 = vector.multi_reduction <add>, %convert_element_type3A_172, %reduce_sum3A_173 [1] : vector<128x64xf32> to vector<128xf32>
      %min3A_175 = arith.constant 6.300000e+01 : f32
      %min3A_176 = vector.broadcast %min3A_175 : f32 to vector<128xf32>
      %min3A_177 = arith.minimumf %reduce_sum3A_174, %min3A_176 : vector<128xf32>
      %sub3A_178 = arith.constant 1.000000e+00 : f32
      %sub3A_179 = arith.subf %reduce_sum3A_69, %sub3A_178 : f32
      %le3A_180 = vector.broadcast %sub3A_179 : f32 to vector<64xf32>
      %le3A_181 = arith.cmpf ole, %squeeze3A_64, %le3A_180 : vector<64xf32>
      %convert_element_type3A_182 = arith.extui %le3A_181 : vector<64xi1> to vector<64xi32>
      %convert_element_type3A_183 = arith.sitofp %convert_element_type3A_182 : vector<64xi32> to vector<64xf32>
      %reduce_sum3A_184 = vector.shape_cast %convert_element_type3A_183 : vector<64xf32> to vector<1x64xf32>
      %reduce_sum3A_185 = arith.constant dense<0.000000e+00> : vector<1xf32>
      %reduce_sum3A_186 = vector.multi_reduction <add>, %reduce_sum3A_184, %reduce_sum3A_185 [1] : vector<1x64xf32> to vector<1xf32>
      %reduce_sum3A_187 = vector.shape_cast %reduce_sum3A_186 : vector<1xf32> to vector<1x1xf32>
      %reduce_sum3A_188 = vector.extract %reduce_sum3A_187[0, 0] : f32 from vector<1x1xf32>
      %min3A_189 = arith.constant 6.300000e+01 : f32
      %min3A_190 = arith.minimumf %reduce_sum3A_188, %min3A_189 : f32
      %squeeze3A_191 = vector.shape_cast %max3A_166 : vector<128x1xf32> to vector<128xf32>
      %lt3A_192 = vector.broadcast %reduce_sum3A_69 : f32 to vector<128xf32>
      %lt3A_193 = arith.cmpf olt, %squeeze3A_191, %lt3A_192 : vector<128xf32>
      %broadcast_in_dim3A_194 = vector.broadcast %min3A_190 : f32 to vector<128xf32>
      %select_n3A_195 = arith.select %lt3A_193, %min3A_177, %broadcast_in_dim3A_194 : vector<128xi1>, vector<128xf32>
      %iota3A_196 = tpu.iota {dimensions = array<i32: 1>} : vector<128x64xi32>
      %convert_element_type3A_197 = arith.sitofp %iota3A_196 : vector<128x64xi32> to vector<128x64xf32>
      %broadcast_in_dim3A_198 = vector.shape_cast %select_n3A_195 : vector<128xf32> to vector<128x1xf32>
      %eq3A_199 = vector.broadcast %broadcast_in_dim3A_198 : vector<128x1xf32> to vector<128x64xf32>
      %eq3A_200 = arith.cmpf oeq, %convert_element_type3A_197, %eq3A_199 : vector<128x64xf32>
      %convert_element_type3A_201 = arith.extui %eq3A_200 : vector<128x64xi1> to vector<128x64xi32>
      %convert_element_type3A_202 = arith.sitofp %convert_element_type3A_201 : vector<128x64xi32> to vector<128x64xf32>
      %broadcast_in_dim3A_203 = vector.shape_cast %squeeze3A_64 : vector<64xf32> to vector<1x64xf32>
      %mul3A_204 = vector.broadcast %broadcast_in_dim3A_203 : vector<1x64xf32> to vector<128x64xf32>
      %mul3A_205 = arith.mulf %convert_element_type3A_202, %mul3A_204 : vector<128x64xf32>
      %reduce_sum3A_206 = arith.constant dense<0.000000e+00> : vector<128xf32>
      %reduce_sum3A_207 = vector.multi_reduction <add>, %mul3A_205, %reduce_sum3A_206 [1] : vector<128x64xf32> to vector<128xf32>
      %broadcast_in_dim3A_208 = vector.shape_cast %select_n3A : vector<64xf32> to vector<1x64xf32>
      %mul3A_209 = vector.broadcast %broadcast_in_dim3A_208 : vector<1x64xf32> to vector<128x64xf32>
      %mul3A_210 = arith.mulf %convert_element_type3A_202, %mul3A_209 : vector<128x64xf32>
      %reduce_sum3A_211 = arith.constant dense<0.000000e+00> : vector<128xf32>
      %reduce_sum3A_212 = vector.multi_reduction <add>, %mul3A_210, %reduce_sum3A_211 [1] : vector<128x64xf32> to vector<128xf32>
      %sub3A_213 = arith.subf %reduce_sum3A_207, %reduce_sum3A_212 : vector<128xf32>
      %broadcast_in_dim3A_214 = vector.shape_cast %floor3A : vector<64xf32> to vector<1x64xf32>
      %mul3A_215 = vector.broadcast %broadcast_in_dim3A_214 : vector<1x64xf32> to vector<128x64xf32>
      %mul3A_216 = arith.mulf %convert_element_type3A_202, %mul3A_215 : vector<128x64xf32>
      %reduce_sum3A_217 = arith.constant dense<0.000000e+00> : vector<128xf32>
      %reduce_sum3A_218 = vector.multi_reduction <add>, %mul3A_216, %reduce_sum3A_217 [1] : vector<128x64xf32> to vector<128xf32>
      %squeeze3A_219 = vector.shape_cast %max3A_166 : vector<128x1xf32> to vector<128xf32>
      %add3A_220 = arith.addf %reduce_sum3A_218, %squeeze3A_219 : vector<128xf32>
      %sub3A_221 = arith.subf %add3A_220, %sub3A_213 : vector<128xf32>
      %squeeze3A_222 = vector.shape_cast %max3A_166 : vector<128x1xf32> to vector<128xf32>
      %lt3A_223 = vector.broadcast %reduce_sum3A_69 : f32 to vector<128xf32>
      %lt3A_224 = arith.cmpf olt, %squeeze3A_222, %lt3A_223 : vector<128xf32>
      %jit3A_225 = arith.constant 7.000000e+00 : f32
      %broadcast_in_dim3A_226 = vector.broadcast %jit3A_225 : f32 to vector<128xf32>
      %select_n3A_227 = arith.select %lt3A_224, %sub3A_221, %broadcast_in_dim3A_226 : vector<128xi1>, vector<128xf32>
      %squeeze3A_228 = vector.shape_cast %convert_element_type3A_71 : vector<128x1xf32> to vector<128xf32>
      %eq3A_229 = arith.constant 0.000000e+00 : f32
      %eq3A_230 = vector.broadcast %eq3A_229 : f32 to vector<128xf32>
      %eq3A_231 = arith.cmpf oeq, %squeeze3A_228, %eq3A_230 : vector<128xf32>
      %ne3A = arith.cmpf one, %select_n3A_131, %select_n3A_227 : vector<128xf32>
      %convert_element_type3A_232 = arith.extui %ne3A : vector<128xi1> to vector<128xi32>
      %convert_element_type3A_233 = arith.sitofp %convert_element_type3A_232 : vector<128xi32> to vector<128xf32>
      %jit3A_234 = arith.constant 1.000000e+00 : f32
      %broadcast_in_dim3A_235 = vector.broadcast %jit3A_234 : f32 to vector<128xf32>
      %select_n3A_236 = arith.select %eq3A_231, %broadcast_in_dim3A_235, %convert_element_type3A_233 : vector<128xi1>, vector<128xf32>
      %stack3A = vector.shape_cast %select_n3A_99 : vector<128xf32> to vector<1x128xf32>
      %stack3A_237 = vector.shape_cast %select_n3A_131 : vector<128xf32> to vector<1x128xf32>
      %stack3A_238 = vector.shape_cast %select_n3A_145 : vector<128xf32> to vector<1x128xf32>
      %stack3A_239 = vector.shape_cast %select_n3A_160 : vector<128xf32> to vector<1x128xf32>
      %stack3A_240 = vector.shape_cast %select_n3A_236 : vector<128xf32> to vector<1x128xf32>
      %stack3A_241 = tpu.concatenate %stack3A, %stack3A_237, %stack3A_238, %stack3A_239, %stack3A_240 in 0 : vector<1x128xf32>, vector<1x128xf32>, vector<1x128xf32>, vector<1x128xf32>, vector<1x128xf32> -> vector<5x128xf32>
      %convert_element_type3A_242 = arith.fptosi %stack3A_241 : vector<5x128xf32> to vector<5x128xi32>
      %reshape3A_243 = vector.shape_cast %convert_element_type3A_242 : vector<5x128xi32> to vector<5x1x128xi32>
      %swap3A_244 = arith.constant 0 : index
      %swap3A_245 = arith.constant 0 : index
      %swap3A_246 = arith.constant 0 : index
      %swap3A_247 = vector.load %arg6[%swap3A_244, %swap3A_245, %swap3A_246] : memref<5x1x128xi32, #tpu.memory_space<vmem>>, vector<5x1x128xi32>
      tpu.vector_store %arg6[%swap3A_244, %swap3A_245, %swap3A_246], %reshape3A_243 {strides = array<i32>} : memref<5x1x128xi32, #tpu.memory_space<vmem>>, vector<5x1x128xi32>,
    } else {
    }
    return
  }
  func.func @transform_0(%arg0: i32, %arg1: i32) -> (i32, i32) {
    %eq3A = arith.constant 0 : i32
    %eq3A_0 = arith.cmpi eq, %arg0, %eq3A : i32
    %jit3A = arith.constant 3 : i32
    %select_n3A = arith.select %eq3A_0, %arg1, %jit3A : i32
    %c0_i32 = arith.constant 0 : i32
    %c0_i32_1 = arith.constant 0 : i32
    return %select_n3A, %c0_i32 : i32, i32
  }
  func.func @transform_1(%arg0: i32, %arg1: i32) -> (i32, i32) {
    %c0_i32 = arith.constant 0 : i32
    %c0_i32_0 = arith.constant 0 : i32
    %c0_i32_1 = arith.constant 0 : i32
    return %c0_i32, %c0_i32_0 : i32, i32
  }
  func.func @transform_2(%arg0: i32, %arg1: i32) -> (i32, i32) {
    %eq3A = arith.constant 0 : i32
    %eq3A_0 = arith.cmpi eq, %arg0, %eq3A : i32
    %jit3A = arith.constant 3 : i32
    %select_n3A = arith.select %eq3A_0, %arg1, %jit3A : i32
    %c0_i32 = arith.constant 0 : i32
    %c0_i32_1 = arith.constant 0 : i32
    return %select_n3A, %c0_i32 : i32, i32
  }
  func.func @transform_3(%arg0: i32, %arg1: i32) -> (i32, i32, i32) {
    %eq3A = arith.constant 1 : i32
    %eq3A_0 = arith.cmpi eq, %arg0, %eq3A : i32
    %jit3A = arith.constant 0 : i32
    %select_n3A = arith.select %eq3A_0, %arg1, %jit3A : i32
    %c0_i32 = arith.constant 0 : i32
    %c0_i32_1 = arith.constant 0 : i32
    %c0_i32_2 = arith.constant 0 : i32
    return %select_n3A, %c0_i32, %c0_i32_1 : i32, i32, i32
  }
  func.func @transform_4(%arg0: i32, %arg1: i32) -> (i32, i32, i32) {
    %c0_i32 = arith.constant 0 : i32
    %c0_i32_0 = arith.constant 0 : i32
    %c0_i32_1 = arith.constant 0 : i32
    %c0_i32_2 = arith.constant 0 : i32
    return %c0_i32, %c0_i32_0, %c0_i32_1 : i32, i32, i32
  }
  func.func @transform_5(%arg0: i32, %arg1: i32) -> (i32, i32, i32) {
    %c0_i32 = arith.constant 0 : i32
    %c0_i32_0 = arith.constant 0 : i32
    %c0_i32_1 = arith.constant 0 : i32
    %c0_i32_2 = arith.constant 0 : i32
    return %c0_i32, %c0_i32_0, %c0_i32_1 : i32, i32, i32
  }
}

module attributes {stable_mosaic.version = 14 : i64} {
  func.func @_gmm_body(%arg0: i32, %arg1: memref<5x128xi32, #tpu.memory_space<smem>>, %arg2: memref<256x896xf32, #tpu.memory_space<vmem>>, %arg3: memref<1x768x1536xf32, #tpu.memory_space<vmem>>, %arg4: memref<1x768x1536xf32, #tpu.memory_space<vmem>>, %arg5: memref<1x1536x768xf32, #tpu.memory_space<vmem>>, %arg6: memref<256x768xf32, #tpu.memory_space<vmem>>) attributes {dimension_semantics = [#tpu.dimension_semantics<arbitrary>], iteration_bounds = array<i64: 71>, scalar_prefetch = 1 : i64, scratch_operands = 0 : i64, tpu.core_type = #tpu.core_type<tc>, window_params = [{transform_indices = @transform_0, window_bounds = array<i64: 256, 896>}, {transform_indices = @transform_1, window_bounds = array<i64: 1, 768, 1536>}, {transform_indices = @transform_2, window_bounds = array<i64: 1, 768, 1536>}, {transform_indices = @transform_3, window_bounds = array<i64: 1, 1536, 768>}, {transform_indices = @transform_4, window_bounds = array<i64: 256, 768>}]} {
    %get3A = arith.constant 0 : index
    %get3A_0 = arith.constant 0 : index
    %get3A_1 = vector.load %arg2[%get3A, %get3A_0] : memref<256x896xf32, #tpu.memory_space<vmem>>, vector<256x768xf32>
    %get3A_2 = arith.constant 0 : index
    %get3A_3 = arith.constant 768 : index
    %get3A_4 = vector.load %arg2[%get3A_2, %get3A_3] : memref<256x896xf32, #tpu.memory_space<vmem>>, vector<256x1xf32>
    %get3A_5 = arith.constant 0 : index
    %get3A_6 = arith.constant 0 : index
    %get3A_7 = arith.constant 0 : index
    %get3A_8 = vector.load %arg3[%get3A_5, %get3A_6, %get3A_7] : memref<1x768x1536xf32, #tpu.memory_space<vmem>>, vector<1x768x1536xf32>
    %get3A_9 = vector.shape_cast %get3A_8 : vector<1x768x1536xf32> to vector<768x1536xf32>
    %dot_general3A = arith.constant dense<0.000000e+00> : vector<256x1536xf32>
    %dot_general3A_10 = tpu.matmul %get3A_1, %get3A_9, %dot_general3A {dimension_numbers = #tpu.dot_dimension_numbers<[1], [0], [0], [1], [0, 0, 1, 1], [], []>, transpose_lhs_hint = false} : vector<256x768xf32>, vector<768x1536xf32>, vector<256x1536xf32> -> vector<256x1536xf32>
    %get3A_11 = arith.constant 0 : index
    %get3A_12 = arith.constant 0 : index
    %get3A_13 = arith.constant 0 : index
    %get3A_14 = vector.load %arg4[%get3A_11, %get3A_12, %get3A_13] : memref<1x768x1536xf32, #tpu.memory_space<vmem>>, vector<1x768x1536xf32>
    %get3A_15 = vector.shape_cast %get3A_14 : vector<1x768x1536xf32> to vector<768x1536xf32>
    %dot_general3A_16 = arith.constant dense<0.000000e+00> : vector<256x1536xf32>
    %dot_general3A_17 = tpu.matmul %get3A_1, %get3A_15, %dot_general3A_16 {dimension_numbers = #tpu.dot_dimension_numbers<[1], [0], [0], [1], [0, 0, 1, 1], [], []>, transpose_lhs_hint = false} : vector<256x768xf32>, vector<768x1536xf32>, vector<256x1536xf32> -> vector<256x1536xf32>
    %logistic3A = arith.negf %dot_general3A_10 : vector<256x1536xf32>
    %logistic3A_18 = math.exp %logistic3A : vector<256x1536xf32>
    %logistic3A_19 = arith.constant 1.000000e+00 : f32
    %logistic3A_20 = vector.broadcast %logistic3A_19 : f32 to vector<256x1536xf32>
    %logistic3A_21 = arith.addf %logistic3A_20, %logistic3A_18 : vector<256x1536xf32>
    %logistic3A_22 = arith.divf %logistic3A_20, %logistic3A_21 : vector<256x1536xf32>
    %mul3A = arith.mulf %dot_general3A_10, %logistic3A_22 : vector<256x1536xf32>
    %mul3A_23 = arith.mulf %mul3A, %dot_general3A_17 : vector<256x1536xf32>
    %get3A_24 = arith.constant 0 : index
    %get3A_25 = arith.constant 0 : index
    %get3A_26 = arith.constant 0 : index
    %get3A_27 = vector.load %arg5[%get3A_24, %get3A_25, %get3A_26] : memref<1x1536x768xf32, #tpu.memory_space<vmem>>, vector<1x1536x768xf32>
    %get3A_28 = vector.shape_cast %get3A_27 : vector<1x1536x768xf32> to vector<1536x768xf32>
    %dot_general3A_29 = arith.constant dense<0.000000e+00> : vector<256x768xf32>
    %dot_general3A_30 = tpu.matmul %mul3A_23, %get3A_28, %dot_general3A_29 {dimension_numbers = #tpu.dot_dimension_numbers<[1], [0], [0], [1], [0, 0, 1, 1], [], []>, transpose_lhs_hint = false} : vector<256x1536xf32>, vector<1536x768xf32>, vector<256x768xf32> -> vector<256x768xf32>
    %iota3A = tpu.iota {dimensions = array<i32: 0>} : vector<256x1xi32>
    %get3A_31 = arith.constant 2 : index
    %get3A_32 = arith.index_cast %arg0 : i32 to index
    %get3A_33 = memref.load %arg1[%get3A_31, %get3A_32] : memref<5x128xi32, #tpu.memory_space<smem>>
    %ge3A = vector.broadcast %get3A_33 : i32 to vector<256x1xi32>
    %ge3A_34 = arith.cmpi sge, %iota3A, %ge3A : vector<256x1xi32>
    %get3A_35 = arith.constant 3 : index
    %get3A_36 = arith.index_cast %arg0 : i32 to index
    %get3A_37 = memref.load %arg1[%get3A_35, %get3A_36] : memref<5x128xi32, #tpu.memory_space<smem>>
    %lt3A = vector.broadcast %get3A_37 : i32 to vector<256x1xi32>
    %lt3A_38 = arith.cmpi slt, %iota3A, %lt3A : vector<256x1xi32>
    %and3A = arith.andi %ge3A_34, %lt3A_38 : vector<256x1xi1>
    %mul3A_39 = vector.broadcast %get3A_4 : vector<256x1xf32> to vector<256x768xf32>
    %mul3A_40 = arith.mulf %dot_general3A_30, %mul3A_39 : vector<256x768xf32>
    %jit3A = arith.constant 0.000000e+00 : f32
    %broadcast_in_dim3A = vector.shape_cast %and3A : vector<256x1xi1> to vector<256x1xi1>
    %broadcast_in_dim3A_41 = vector.broadcast %broadcast_in_dim3A : vector<256x1xi1> to vector<256x768xi1>
    %broadcast_in_dim3A_42 = vector.broadcast %jit3A : f32 to vector<256x768xf32>
    %select_n3A = arith.select %broadcast_in_dim3A_41, %mul3A_40, %broadcast_in_dim3A_42 : vector<256x768xi1>, vector<256x768xf32>
    %get3A_43 = arith.constant 4 : index
    %get3A_44 = arith.index_cast %arg0 : i32 to index
    %get3A_45 = memref.load %arg1[%get3A_43, %get3A_44] : memref<5x128xi32, #tpu.memory_space<smem>>
    %ne3A = arith.constant 0 : i32
    %ne3A_46 = arith.cmpi ne, %get3A_45, %ne3A : i32
    %convert_element_type3A = arith.extui %ne3A_46 : i1 to i32
    %cond3A = arith.constant 0 : i32
    %cond3A_47 = arith.cmpi ne, %convert_element_type3A, %cond3A : i32
    scf.if %cond3A_47 {
      %swap3A = arith.constant 0 : index
      %swap3A_55 = arith.constant 0 : index
      %swap3A_56 = vector.load %arg6[%swap3A, %swap3A_55] : memref<256x768xf32, #tpu.memory_space<vmem>>, vector<256x768xf32>
      tpu.vector_store %arg6[%swap3A, %swap3A_55], %select_n3A {strides = array<i32>} : memref<256x768xf32, #tpu.memory_space<vmem>>, vector<256x768xf32>,
    } else {
    }
    %get3A_48 = arith.constant 4 : index
    %get3A_49 = arith.index_cast %arg0 : i32 to index
    %get3A_50 = memref.load %arg1[%get3A_48, %get3A_49] : memref<5x128xi32, #tpu.memory_space<smem>>
    %eq3A = arith.constant 0 : i32
    %eq3A_51 = arith.cmpi eq, %get3A_50, %eq3A : i32
    %convert_element_type3A_52 = arith.extui %eq3A_51 : i1 to i32
    %cond3A_53 = arith.constant 0 : i32
    %cond3A_54 = arith.cmpi ne, %convert_element_type3A_52, %cond3A_53 : i32
    scf.if %cond3A_54 {
      %get3A_55 = arith.constant 0 : index
      %get3A_56 = arith.constant 0 : index
      %get3A_57 = vector.load %arg6[%get3A_55, %get3A_56] : memref<256x768xf32, #tpu.memory_space<vmem>>, vector<256x768xf32>
      %add3A = arith.addf %get3A_57, %select_n3A : vector<256x768xf32>
      %swap3A = arith.constant 0 : index
      %swap3A_58 = arith.constant 0 : index
      %swap3A_59 = vector.load %arg6[%swap3A, %swap3A_58] : memref<256x768xf32, #tpu.memory_space<vmem>>, vector<256x768xf32>
      tpu.vector_store %arg6[%swap3A, %swap3A_58], %add3A {strides = array<i32>} : memref<256x768xf32, #tpu.memory_space<vmem>>, vector<256x768xf32>,
    } else {
    }
    return
  }
  func.func @transform_0(%arg0: i32, %arg1: memref<5x128xi32, #tpu.memory_space<smem>>) -> (i32, i32) {
    %get3A = arith.constant 1 : index
    %get3A_0 = arith.index_cast %arg0 : i32 to index
    %get3A_1 = memref.load %arg1[%get3A, %get3A_0] : memref<5x128xi32, #tpu.memory_space<smem>>
    %c0_i32 = arith.constant 0 : i32
    %c0_i32_2 = arith.constant 0 : i32
    return %get3A_1, %c0_i32 : i32, i32
  }
  func.func @transform_1(%arg0: i32, %arg1: memref<5x128xi32, #tpu.memory_space<smem>>) -> (i32, i32, i32) {
    %get3A = arith.constant 0 : index
    %get3A_0 = arith.index_cast %arg0 : i32 to index
    %get3A_1 = memref.load %arg1[%get3A, %get3A_0] : memref<5x128xi32, #tpu.memory_space<smem>>
    %c0_i32 = arith.constant 0 : i32
    %c0_i32_2 = arith.constant 0 : i32
    %c0_i32_3 = arith.constant 0 : i32
    return %get3A_1, %c0_i32, %c0_i32_2 : i32, i32, i32
  }
  func.func @transform_2(%arg0: i32, %arg1: memref<5x128xi32, #tpu.memory_space<smem>>) -> (i32, i32, i32) {
    %get3A = arith.constant 0 : index
    %get3A_0 = arith.index_cast %arg0 : i32 to index
    %get3A_1 = memref.load %arg1[%get3A, %get3A_0] : memref<5x128xi32, #tpu.memory_space<smem>>
    %c0_i32 = arith.constant 0 : i32
    %c0_i32_2 = arith.constant 0 : i32
    %c0_i32_3 = arith.constant 0 : i32
    return %get3A_1, %c0_i32, %c0_i32_2 : i32, i32, i32
  }
  func.func @transform_3(%arg0: i32, %arg1: memref<5x128xi32, #tpu.memory_space<smem>>) -> (i32, i32, i32) {
    %get3A = arith.constant 0 : index
    %get3A_0 = arith.index_cast %arg0 : i32 to index
    %get3A_1 = memref.load %arg1[%get3A, %get3A_0] : memref<5x128xi32, #tpu.memory_space<smem>>
    %c0_i32 = arith.constant 0 : i32
    %c0_i32_2 = arith.constant 0 : i32
    %c0_i32_3 = arith.constant 0 : i32
    return %get3A_1, %c0_i32, %c0_i32_2 : i32, i32, i32
  }
  func.func @transform_4(%arg0: i32, %arg1: memref<5x128xi32, #tpu.memory_space<smem>>) -> (i32, i32) {
    %get3A = arith.constant 1 : index
    %get3A_0 = arith.index_cast %arg0 : i32 to index
    %get3A_1 = memref.load %arg1[%get3A, %get3A_0] : memref<5x128xi32, #tpu.memory_space<smem>>
    %c0_i32 = arith.constant 0 : i32
    %c0_i32_2 = arith.constant 0 : i32
    return %get3A_1, %c0_i32 : i32, i32
  }
}

</mosaic_0001>

<sc_bundles>
// kernel: kernel.6.cloned.1.call-start
scs
__scs_entry_jumppad:
0x0: {  	(pc) =	sbr.rel $0x88, $3  }
0x1: {  	(tag) =	ssettag $0x0;
	lr =	simm.s32 $0x1  }
0x2: {  	[smem:$0x3F9C] =	sst lr;
	_ =	strace $0xD0000000  }
0x3: {  	_ = 	snop  }
0x4: {  	_ = 	snop  }
0x5: {  	_ = 	snop  }
0x6: {  	_ = 	snop  }
0x7: {  	_ = 	snop  }
__scs_overlays_trampoline_lowered:
0x8: {  	[smem:$0x3FAB] =	sst s0  }
0x9: {  	[smem:$0x3FAC] =	sst s1  }
0xa: {  	[smem:$0x3FAD] =	sst s2  }
0xb: {  	[smem:$0x3FAE] =	sst s3  }
0xc: {  	[smem:$0x3FAF] =	sst s4  }
0xd: {  	[smem:$0x3FB0] =	sst s5  }
0xe: {  	[smem:$0x3FB1] =	sst s6  }
0xf: {  	[smem:$0x3FB2] =	sst s7  }
0x10: {  	[smem:$0x3FB3] =	sst s8  }
0x11: {  	[smem:$0x3FB4] =	sst s9;
	s0 =	simm.s32 @!p0 $0x0  }
0x12: {  	s1 =	sld [smem:$0x3F9A];
	s0 =	simm.s32 @p0 $0x1  }
0x13: {  	[smem:$0x3FB5] =	sst s0;
	s0 =	simm.s32 @!p1 $0x0  }
0x14: {  	s2 =	sld [smem:$0x3F99];
	s0 =	simm.s32 @p1 $0x1  }
0x15: {  	[smem:$0x3FB6] =	sst s0;
	s0 =	simm.s32 @!p2 $0x0  }
0x16: {  	s3 =	sld [smem:$0x3FDB];
	s0 =	simm.s32 @p2 $0x1  }
0x17: {  	s4 =	simm.s32 $0x1BF5;
	[smem:$0x3FB8] =	sst s0  }
0x18: {  	s0 =	sld [smem:$0x3F9B];
	_ =	swait.ge [sflag:s4], $0x0  }
0x19: {  	s7 =	sld [smem:$0x3F9C]  }
0x1a: {  	s8 =	sadd.s32 $0xFFFFE003, lr  }
0x1b: {  	s9 =	sadd.s32 $0xFFFFFEF7, lr;
	s5 =	simm.s32 $0xFFFFFFFF;
	p2 =	slt.u32 s8, $0xFFFFF086  }
0x1c: {  	p1 =	slt.u32 s9, $0xF7A;
	s5 =	simm.s32 @!p2 $0x0  }
0x1d: {  	s5 =	simm.s32 @p1 $0x1;
	p0 =	seq.s32 s7, s2  }
0x1e: {  	s7 =	smul.u32 @!p0 $0xF7A, s2;
	p2 =	seq.s32 @!p0 s5, $0x0  }
0x1f: {  	s9 =	smul.u32 $0xF7A, s1;
	s8 =	simm.s32 @!p0 $0x1BF5;
	p2 =	por !p2, p0  }
0x20: {  	[sflag:s8] =	ssyncset.s32 @!p0 $0xFFFFF086;
	s6 =	sadd.s32 @!p0 s3, s7;
	s7 =	simm.s32 @!p0 $0x108  }
0x21: {  	s3 =	sadd.s32 s3, s9;
	s6 =	sadd.s32 @!p0 $0x88, s6;
	s7 =	simm.s32 @p2 $0x1082  }
0x22: {  	[simem:s7], [sflag:s8] =	dma.local @!p0 [hbm:s6], $0xF7A  }
0x23: {  	s9 =	sor.u32 $0xD0000000, s2;
	s6 =	simm.s32 $0x108;
	_ =	swait.ge @!p0 [sflag:s8], $0x0  }
0x24: {  	s3 =	sadd.s32 $0x88, s3;
	s6 =	simm.s32 @!p1 $0x1082;
	[sflag:s4] =	ssyncset.s32 $0xFFFFF086  }
0x25: {  	[simem:s6], [sflag:s4] =	dma.local [hbm:s3], $0xF7A  }
0x26: {  	[smem:$0x3F9C] =	sst s1;
	(tag) =	ssettag s2;
	_ =	strace s9  }
0x27: {  	s1 =	sld [smem:$0x3FAC]  }
0x28: {  	s2 =	sld [smem:$0x3FAD]  }
0x29: {  	s4 =	sld [smem:$0x3FAF]  }
0x2a: {  	p0 =	seq.s32 s5, $0x0;
	s5 =	sld [smem:$0x3FB0]  }
0x2b: {  	s6 =	sld [smem:$0x3FB1]  }
0x2c: {  	s7 =	sld [smem:$0x3FB2]  }
0x2d: {  	s3 =	simm.s32 $0x108;
	s8 =	sld [smem:$0x3FB3]  }
0x2e: {  	s3 =	simm.s32 @!p0 $0x1082;
	s9 =	sld [smem:$0x3FB4]  }
0x2f: {  	lr =	sadd.s32 s0, s3;
	s0 =	sld [smem:$0x3FAB]  }
0x30: {  	s3 =	sld [smem:$0x3FAE]  }
0x31: {  	[smem:$0x3FB7] =	sst s10  }
0x32: {  	s10 =	sld [smem:$0x3FB5];
	_ =	sdelay $0x3  }
0x33: {  	p0 =	seq.s32 s10, $0x1;
	s10 =	sld [smem:$0x3FB7];
	_ =	sdelay $0x3  }
0x34: {  	[smem:$0x3FB7] =	sst s10  }
0x35: {  	s10 =	sld [smem:$0x3FB6];
	_ =	sdelay $0x3  }
0x36: {  	p1 =	seq.s32 s10, $0x1;
	s10 =	sld [smem:$0x3FB7];
	_ =	sdelay $0x3  }
0x37: {  	[smem:$0x3FB7] =	sst s10  }
0x38: {  	s10 =	sld [smem:$0x3FB8]  }
0x39: {  	_ = 	snop;
	(pc) =	sbr.ind lr, $3  }
0x3a: {  	_ = 	snop  }
0x3b: {  	_ = 	snop  }
0x3c: {  	p2 =	seq.s32 s10, $0x1;
	s10 =	sld [smem:$0x3FB7]  }
0x3d: {  	_ =	shalt  }
0x3e: {  	_ =	shalt  }
0x3f: {  	_ =	shalt  }
0x40: {  	_ =	shalt  }
0x41: {  	_ =	shalt  }
0x42: {  	_ =	shalt  }
0x43: {  	_ =	shalt  }
0x44: {  	_ =	shalt  }
0x45: {  	_ =	shalt  }
0x46: {  	_ =	shalt  }
0x47: {  	_ =	shalt  }
0x48: {  	_ =	shalt  }
0x49: {  	_ =	shalt  }
0x4a: {  	_ =	shalt  }
0x4b: {  	_ =	shalt  }
0x4c: {  	_ =	shalt  }
0x4d: {  	_ =	shalt  }
0x4e: {  	_ =	shalt  }
0x4f: {  	_ =	shalt  }
0x50: {  	_ =	shalt  }
0x51: {  	_ =	shalt  }
0x52: {  	_ =	shalt  }
0x53: {  	_ =	shalt  }
0x54: {  	_ =	shalt  }
0x55: {  	_ =	shalt  }
0x56: {  	_ =	shalt  }
0x57: {  	_ =	shalt  }
0x58: {  	_ =	shalt  }
0x59: {  	_ =	shalt  }
0x5a: {  	_ =	shalt  }
0x5b: {  	_ =	shalt  }
0x5c: {  	_ =	shalt  }
0x5d: {  	_ =	shalt  }
0x5e: {  	_ =	shalt  }
0x5f: {  	_ =	shalt  }
0x60: {  	_ =	shalt  }
0x61: {  	_ =	shalt  }
0x62: {  	_ =	shalt  }
0x63: {  	_ =	shalt  }
0x64: {  	_ =	shalt  }
0x65: {  	_ =	shalt  }
0x66: {  	_ =	shalt  }
0x67: {  	_ =	shalt  }
0x68: {  	_ =	shalt  }
0x69: {  	_ =	shalt  }
0x6a: {  	_ =	shalt  }
0x6b: {  	_ =	shalt  }
0x6c: {  	_ =	shalt  }
0x6d: {  	_ =	shalt  }
0x6e: {  	_ =	shalt  }
0x6f: {  	_ =	shalt  }
0x70: {  	_ =	shalt  }
0x71: {  	_ =	shalt  }
0x72: {  	_ =	shalt  }
0x73: {  	_ =	shalt  }
0x74: {  	_ =	shalt  }
0x75: {  	_ =	shalt  }
0x76: {  	_ =	shalt  }
0x77: {  	_ =	shalt  }
0x78: {  	_ =	shalt  }
0x79: {  	_ =	shalt  }
0x7a: {  	_ =	shalt  }
0x7b: {  	_ =	shalt  }
0x7c: {  	_ =	shalt  }
0x7d: {  	_ =	shalt  }
0x7e: {  	_ =	shalt  }
0x7f: {  	_ =	shalt  }
0x80: {  	_ =	shalt  }
0x81: {  	_ =	shalt  }
0x82: {  	_ =	shalt  }
0x83: {  	_ =	shalt  }
0x84: {  	_ =	shalt  }
0x85: {  	_ =	shalt  }
0x86: {  	_ =	shalt  }
0x87: {  	_ =	shalt  }
.Lfunc_end0:
.L_simem_size_0:
called_computation_lowered:
.L_overlay_start_0:
0x88: {  	s2 =	sld [smem:$0x3FD9]  }
0x89: {  	s3 =	sld [smem:$0x3FFE];
	_ =	sdelay $0x1  }
0x8a: {  	s1 =	srdreg.scid  }
0x8b: {  	s0 =	sand.u32 $0x1, s1  }
0x8c: {  	s16 =	sshll.u32 s0, $0xA;
	s2 =	sadd.s32 s3, s2  }
0x8d: {  	s2 =	sadd.s32 s2, s16  }
0x8e: {  	[smem:$0x3FC3] =	sst s2  }
0x8f: {  	_ = 	snop  }
0x90: {  	(tm) =	ssettm $0x1  }
0x91: {  	s17 =	sld [smem:$0x3FFB];
	_ =	sdelay $0x3  }
0x92: {  	_ =	strace s17  }
0x93: {  	s2 =	sld [smem:$0x3FFC];
	_ =	sdelay $0x3  }
0x94: {  	_ =	strace s2  }
0x95: {  	s2 =	sld [smem:$0x3FFD];
	_ =	sdelay $0x3  }
0x96: {  	_ =	strace s2  }
0x97: {  	_ =	strace $0x8FFFFFFF  }
0x98: {  	s18 =	sld [smem:$0x3FDB];
	_ =	sdelay $0x1  }
0x99: {  	s19 =	simm.s32 $_scs_section_size  }
0x9a: {  	s4 =	simm.s32 $_size__tile_overlayer_lowered;
	s5 =	simm.s32 $_tile_overlayer_lowered  }
0x9b: {  	s22 =	simm.s32 $0x1BFF;
	s21 =	sshll.u32 s5, $0x1;
	s2 =	sadd.s32 s19, s18  }
0x9c: {  	s6 =	simm.s32 $0x0;
	s20 =	sshll.u32 s4, $0x1;
	s4 =	sadd.s32 s21, s2  }
0x9d: {  	[timem:s6], [sflag:s22] =	dma.local [hbm:s4], s20  }
0x9e: {  	_ =	swait.ge [sflag:s22], s20  }
0x9f: {  	s3 =	ssub.s32 $0x0, s20;
	[sflag:s22] =	ssyncset.done $0x0  }
0xa0: {  	[sflag:s22] =	ssyncadd.s32 s3;
	_ =	sdelay $0x1  }
0xa1: {  	s23 =	simm.s32 $0x1B8B  }
0xa2: {  	_ =	swait.ge [sflag:s23], $0x1  }
0xa3: {  	[sflag:s23] =	ssyncset.done $0x0  }
0xa4: {  	s25 =	simm.s32 $0x1B8E;
	s24 =	sld [smem:$0x3FFE];
	[sflag:s23] =	ssyncadd.s32 $0xFFFFFFFF  }
0xa5: {  	s26 =	simm.s32 $execute0_lowered;
	[smem:$0x3FD2] =	sst s25  }
0xa6: {  	s4 =	sshll.u32 s26, $0x1;
	_ =	strace $0x80000046;
	[dreg:$0x1] =	wrdreg $0xFFFFFFFF  }
0xa7: {  	s28 =	simm.s32 $_size_execute0_lowered;
	s2 =	sadd.s32 s2, s4;
	[dreg:$0x0] =	wrdreg $0x0  }
0xa8: {  	s4 =	sshll.u32 s28, $0x1;
	[dreg:$0x2] =	wrdreg s2  }
0xa9: {  	[dreg:$0x3] =	wrdreg s4  }
0xaa: {  	[dreg:$0x4] =	wrdreg $0xC0  }
0xab: {  	_ =	task [dreg:s6], $0x5FFFF  }
0xac: {  	[dreg:$0x1] =	wrdreg $0xFFFFFFFF  }
0xad: {  	[dreg:$0x0] =	wrdreg $0x60  }
0xae: {  	[dreg:$0x2] =	wrdreg s24  }
0xaf: {  	[dreg:$0x3] =	wrdreg $0x9  }
0xb0: {  	_ =	task.clear_ibuf [dreg:s6], $0x4FFFF;
	_ =	strace $0x90000046  }
0xb1: {  	s29 =	simm.s32 $0x9;
	_ =	strace $0x80000048  }
0xb2: {  	_ =	swait.ge [sflag:s29], $0x1  }
0xb3: {  	[sflag:s29] =	ssyncadd.s32 $0xFFFFFFFF  }
0xb4: {  	_ =	strace $0x90000048  }
0xb5: {  	_ =	sfence  }
0xb6: {  	s30 =	sld [smem:$0x0];
	_ =	sdelay $0x2  }
0xb7: {  	s31 =	sshll.u32 s1, $0xD;
	s1 =	sshrl.u32 s1, $0x2  }
0xb8: {  	s3 =	sand.u32 $0x4000, s31;
	s1 =	sadd.s32 s1, s30  }
0xb9: {  	s0 =	sor.u32 s3, s0;
	s1 =	sshll.u32 s1, $0x11  }
0xba: {  	s0 =	sor.u32 s1, s0  }
0xbb: {  	s0 =	sadd.s32 $0x8F2B, s0  }
0xbc: {  	[sflag:s0] =	ssyncadd.remote.s32 $0x1  }
0xbd: {  	_ =	sfence.sel $0xFFFF  }
0xbe: {  	[dreg:$0x0] =	wrdreg $0xFFFFFFFF;
	(pc) =	sbr.abs _section_cstart, $3  }
0xbf: {  	[dreg:$0x1] =	wrdreg $0xFFFFFFFF  }
0xc0: {  	_ =	task.clear_ibuf [dreg:s6], $0x2FFFF;
	_ =	strace $0x9FFFFFFF  }
0xc1: {  	(tm) =	ssettm $0x7FFFFFFF  }
tec
execute0_lowered:
.L_overlay_start_1:
0x0: {  	(tag) =	ssettag $0x1  }
0x1: {  	s1 =	srdreg.scid;
	s0 =	stileid.u32  }
0x2: {  	s6 =	rddreg [dreg:$0x0];
	s19 =	simm.s32 $0xE000;
	s20 =	simm.s32 $0x800  }
0x3: {  	s21 =	simm.s32 $0x1000;
	s22 =	simm.s32 $0x1800;
	s23 =	simm.s32 $0x1C00  }
0x4: {  	s7 =	simm.s32 $0x2400;
	s24 =	simm.s32 $0x2C00;
	s8 =	simm.s32 $0x3400  }
0x5: {  	s25 =	simm.s32 $0x3800;
	s26 =	simm.s32 $0x4000;
	s1 =	sand.u32 $0x1, s1  }
0x6: {  	s10 =	simm.s32 $0x5000;
	s2 =	sshll.u32 s0, $0x4;
	s3 =	sshll.u32 s1, $0x3  }
0x7: {  	s11 =	simm.s32 $0x5400;
	s3 =	sor.u32 s3, s2;
	s2 =	simm.s32 $0x0  }
0x8: {  	s12 =	simm.s32 $0x5C00;
	s13 =	simm.s32 $0x6400;
	[smem:$0x7FF] =	sst s2  }
0x9: {  	s14 =	simm.s32 $0x6C00;
	_ =	strace $0x80000047;
	[dreg:$0x4] =	wrdreg s19  }
0xa: {  	s15 =	simm.s32 $0x7000;
	s16 =	simm.s32 $0x7800;
	[dreg:$0x5] =	wrdreg s20  }
0xb: {  	s17 =	simm.s32 $0x8000;
	s28 =	simm.s32 $0xC400;
	[dreg:$0x6] =	wrdreg s21  }
0xc: {  	s29 =	simm.s32 $0xCC00;
	s30 =	simm.s32 $0xD400;
	[dreg:$0x7] =	wrdreg s22  }
0xd: {  	s31 =	simm.s32 $0xDC00;
	s1 =	ssub.s32 $0x2, s1;
	[dreg:$0x8] =	wrdreg s23  }
0xe: {  	s5 =	sshrl.u32 s1, $0x1;
	s4 =	smul.u32 $0x380, s3;
	[dreg:$0x9] =	wrdreg s7  }
0xf: {  	s3 =	sadd.s32 s3, s6;
	s1 =	ssub.s32 s1, s5;
	[dreg:$0xa] =	wrdreg s24  }
0x10: {  	s5 =	sadd.s32 $0x39800, s6;
	s3 =	sadd.s32 $0x39400, s3;
	[dreg:$0xb] =	wrdreg s8  }
0x11: {  	s7 =	smax.u32 s1, $0x1;
	s8 =	simm.s32 $0x2;
	[dreg:$0xc] =	wrdreg s25  }
0x12: {  	[dreg:$0xd] =	wrdreg s26;
	s19 =	simm.s32 $0x8C00;
	s20 =	simm.s32 $0x9400  }
0x13: {  	s21 =	simm.s32 $0x9C00;
	s22 =	simm.s32 $0xA400;
	s23 =	simm.s32 $0xA800  }
0x14: {  	s24 =	simm.s32 $0xB000;
	s25 =	simm.s32 $0xB800;
	s26 =	simm.s32 $0xC000  }
0x15: {  	v2 =	vlaneseq.u32;
	s1 =	simm.s32 $0x1;
	s4 =	sadd.s32 s4, s6;
	[dreg:$0x2] =	wrdreg s3  }
0x16: {  	vm0 =	vmmov $0xffff;
	vm1 =	vmmov $0xff;
	v1 =	vshrl.u32 v2, $0x3;
	s3 =	sadd.s32 $0x39600, s6;
	s18 =	sadd.s32 $0x1400, s4;
	s4 =	sadd.s32 $0x39700, s6  }
0x17: {  	v0 =	vand.u32 $0x7, v2;
	v2 =	vor.u32 $0x8, v2;
	v1 =	vmul.u32 $0x8, v1;
	s6 =	sadd.s32 $0x39900, s6;
	[dreg:$0x3] =	wrdreg s18;
	s18 =	simm.s32 $0x8800  }
.LBB2_1:
0x18: {  	s0 =	rddreg [dreg:$0x2]  }
0x19: {  	s9 =	rddreg [dreg:$0x4]  }
0x1a: {  	[tilespmem:s9], [sflag:$0x2] =	stream.linear.gather [hbm4b:s0+s2], $0x40, $0x38;
	[tilespmem:$0xE080] =	vst v63  }
0x1b: {  	_ =	swait.ge [sflag:s8], $0x40  }
0x1c: {  	[sflag:s8] =	ssyncset.done $0x0  }
0x1d: {  	s9 =	rddreg [dreg:$0x3];
	[sflag:s8] =	ssyncadd.s32 $0xFFFFFFC0  }
0x1e: {  	[tilespmem:s2], [sflag:$0x2] =	stream.linear.gather [hbm4b:s9+s2], $0xE000, $0x38;
	[tilespmem:$0xE080] =	vst v63  }
0x1f: {  	_ =	swait.ge [sflag:s8], $0xE000  }
0x20: {  	[sflag:s8] =	ssyncset.done $0x0  }
0x21: {  	[sflag:s8] =	ssyncadd.s32 $0xFFFF2000  }
0x22: {  	v3 =	vld [tilespmem:$0xE000];
	_ =	sdelay $0x4  }
0x23: {  	v4 =	vshrl.u32 v3, $0x3  }
0x24: {  	v4 =	vmul.u32 $0x38, v4  }
0x25: {  	v3 =	vand.u32 $0x7, v3  }
0x26: {  	v3 =	vor.u32 v3, v4  }
0x27: {  	v4 =	vperm.xlane v3, v0;
	_ =	sdelay $0x1  }
0x28: {  	v4 =	vadd.s32 v1, v4;
	_ =	sdelay $0x4  }
0x29: {  	[hbm4b:s3+s2] =	stream.indirect_vreg.scatter [tilespmem:s2], [sflag:$0x1], $0x80, v4, vm0, $0xb8;
	[tilespmem:$0xE080] =	vst v63  }
0x2a: {  	s0 =	rddreg [dreg:$0x5];
	v3 =	vperm.xlane v3, v2  }
0x2b: {  	[hbm4b:s4+s2] =	stream.indirect_vreg.scatter [tilespmem:s0], [sflag:$0x1], $0x80, v4, vm0, $0xb8;
	[tilespmem:$0xE080] =	vst v63  }
0x2c: {  	s9 =	rddreg [dreg:$0x6];
	v3 =	vadd.s32 v1, v3  }
0x2d: {  	[hbm4b:s5+s2] =	stream.indirect_vreg.scatter [tilespmem:s9], [sflag:$0x1], $0x80, v4, vm0, $0xb8;
	[tilespmem:$0xE080] =	vst v63  }
0x2e: {  	s0 =	rddreg [dreg:$0x7]  }
0x2f: {  	[hbm4b:s6+s2] =	stream.indirect_vreg.scatter [tilespmem:s0], [sflag:$0x1], $0x80, v4, vm1, $0xb8;
	[tilespmem:$0xE080] =	vst v63  }
0x30: {  	s9 =	rddreg [dreg:$0x8]  }
0x31: {  	[hbm4b:s3+s2] =	stream.indirect_vreg.scatter [tilespmem:s9], [sflag:$0x1], $0x80, v3, vm0, $0xb8;
	[tilespmem:$0xE080] =	vst v63  }
0x32: {  	s0 =	rddreg [dreg:$0x9]  }
0x33: {  	[hbm4b:s4+s2] =	stream.indirect_vreg.scatter [tilespmem:s0], [sflag:$0x1], $0x80, v3, vm0, $0xb8;
	[tilespmem:$0xE080] =	vst v63  }
0x34: {  	s9 =	rddreg [dreg:$0xa]  }
0x35: {  	[hbm4b:s5+s2] =	stream.indirect_vreg.scatter [tilespmem:s9], [sflag:$0x1], $0x80, v3, vm0, $0xb8;
	[tilespmem:$0xE080] =	vst v63  }
0x36: {  	s0 =	rddreg [dreg:$0xb]  }
0x37: {  	[hbm4b:s6+s2] =	stream.indirect_vreg.scatter [tilespmem:s0], [sflag:$0x1], $0x80, v3, vm1, $0xb8;
	[tilespmem:$0xE080] =	vst v63  }
0x38: {  	v3 =	vld [tilespmem:$0xE010];
	_ =	sdelay $0x4  }
0x39: {  	v61 =	vshrl.u32 v3, $0x3  }
0x3a: {  	v4 =	vmul.u32 $0x38, v61  }
0x3b: {  	v3 =	vand.u32 $0x7, v3  }
0x3c: {  	v3 =	vor.u32 v3, v4  }
0x3d: {  	v4 =	vperm.xlane v3, v0;
	_ =	sdelay $0x1  }
0x3e: {  	v4 =	vadd.s32 v1, v4;
	_ =	sdelay $0x3  }
0x3f: {  	s0 =	rddreg [dreg:$0xc]  }
0x40: {  	[hbm4b:s3+s2] =	stream.indirect_vreg.scatter [tilespmem:s0], [sflag:$0x1], $0x80, v4, vm0, $0xb8;
	[tilespmem:$0xE080] =	vst v63  }
0x41: {  	s9 =	rddreg [dreg:$0xd];
	v3 =	vperm.xlane v3, v2  }
0x42: {  	[hbm4b:s4+s2] =	stream.indirect_vreg.scatter [tilespmem:s9], [sflag:$0x1], $0x80, v4, vm0, $0xb8;
	[tilespmem:$0xE080] =	vst v63  }
0x43: {  	v3 =	vadd.s32 v1, v3;
	s9 =	simm.s32 $0x4800  }
0x44: {  	[hbm4b:s5+s2] =	stream.indirect_vreg.scatter [tilespmem:s9], [sflag:$0x1], $0x80, v4, vm0, $0xb8;
	[tilespmem:$0xE080] =	vst v63  }
0x45: {  	_ = 	snop  }
0x46: {  	[hbm4b:s6+s2] =	stream.indirect_vreg.scatter [tilespmem:s10], [sflag:$0x1], $0x80, v4, vm1, $0xb8;
	[tilespmem:$0xE080] =	vst v63  }
0x47: {  	_ = 	snop  }
0x48: {  	[hbm4b:s3+s2] =	stream.indirect_vreg.scatter [tilespmem:s11], [sflag:$0x1], $0x80, v3, vm0, $0xb8;
	[tilespmem:$0xE080] =	vst v63  }
0x49: {  	_ = 	snop  }
0x4a: {  	[hbm4b:s4+s2] =	stream.indirect_vreg.scatter [tilespmem:s12], [sflag:$0x1], $0x80, v3, vm0, $0xb8;
	[tilespmem:$0xE080] =	vst v63  }
0x4b: {  	_ = 	snop  }
0x4c: {  	[hbm4b:s5+s2] =	stream.indirect_vreg.scatter [tilespmem:s13], [sflag:$0x1], $0x80, v3, vm0, $0xb8;
	[tilespmem:$0xE080] =	vst v63  }
0x4d: {  	_ = 	snop  }
0x4e: {  	[hbm4b:s6+s2] =	stream.indirect_vreg.scatter [tilespmem:s14], [sflag:$0x1], $0x80, v3, vm1, $0xb8;
	[tilespmem:$0xE080] =	vst v63  }
0x4f: {  	v3 =	vld [tilespmem:$0xE020];
	_ =	sdelay $0x4  }
0x50: {  	v62 =	vshrl.u32 v3, $0x3  }
0x51: {  	v4 =	vmul.u32 $0x38, v62  }
0x52: {  	v3 =	vand.u32 $0x7, v3  }
0x53: {  	v3 =	vor.u32 v3, v4  }
0x54: {  	v4 =	vperm.xlane v3, v0;
	_ =	sdelay $0x1  }
0x55: {  	v4 =	vadd.s32 v1, v4;
	_ =	sdelay $0x4  }
0x56: {  	[hbm4b:s3+s2] =	stream.indirect_vreg.scatter [tilespmem:s15], [sflag:$0x1], $0x80, v4, vm0, $0xb8;
	[tilespmem:$0xE080] =	vst v63  }
0x57: {  	v3 =	vperm.xlane v3, v2  }
0x58: {  	[hbm4b:s4+s2] =	stream.indirect_vreg.scatter [tilespmem:s16], [sflag:$0x1], $0x80, v4, vm0, $0xb8;
	[tilespmem:$0xE080] =	vst v63  }
0x59: {  	v3 =	vadd.s32 v1, v3  }
0x5a: {  	[hbm4b:s5+s2] =	stream.indirect_vreg.scatter [tilespmem:s17], [sflag:$0x1], $0x80, v4, vm0, $0xb8;
	[tilespmem:$0xE080] =	vst v63  }
0x5b: {  	_ = 	snop  }
0x5c: {  	[hbm4b:s6+s2] =	stream.indirect_vreg.scatter [tilespmem:s18], [sflag:$0x1], $0x80, v4, vm1, $0xb8;
	[tilespmem:$0xE080] =	vst v63  }
0x5d: {  	_ = 	snop  }
0x5e: {  	[hbm4b:s3+s2] =	stream.indirect_vreg.scatter [tilespmem:s19], [sflag:$0x1], $0x80, v3, vm0, $0xb8;
	[tilespmem:$0xE080] =	vst v63  }
0x5f: {  	_ = 	snop  }
0x60: {  	[hbm4b:s4+s2] =	stream.indirect_vreg.scatter [tilespmem:s20], [sflag:$0x1], $0x80, v3, vm0, $0xb8;
	[tilespmem:$0xE080] =	vst v63  }
0x61: {  	_ = 	snop  }
0x62: {  	[hbm4b:s5+s2] =	stream.indirect_vreg.scatter [tilespmem:s21], [sflag:$0x1], $0x80, v3, vm0, $0xb8;
	[tilespmem:$0xE080] =	vst v63  }
0x63: {  	_ = 	snop  }
0x64: {  	[hbm4b:s6+s2] =	stream.indirect_vreg.scatter [tilespmem:s22], [sflag:$0x1], $0x80, v3, vm1, $0xb8;
	[tilespmem:$0xE080] =	vst v63  }
0x65: {  	v3 =	vld [tilespmem:$0xE030];
	_ =	sdelay $0x4  }
0x66: {  	v63 =	vshrl.u32 v3, $0x3  }
0x67: {  	v4 =	vmul.u32 $0x38, v63  }
0x68: {  	v3 =	vand.u32 $0x7, v3  }
0x69: {  	v3 =	vor.u32 v3, v4  }
0x6a: {  	v4 =	vperm.xlane v3, v0;
	_ =	sdelay $0x1  }
0x6b: {  	v4 =	vadd.s32 v1, v4;
	_ =	sdelay $0x4  }
0x6c: {  	[hbm4b:s3+s2] =	stream.indirect_vreg.scatter [tilespmem:s23], [sflag:$0x1], $0x80, v4, vm0, $0xb8;
	[tilespmem:$0xE080] =	vst v63  }
0x6d: {  	v3 =	vperm.xlane v3, v2  }
0x6e: {  	[hbm4b:s4+s2] =	stream.indirect_vreg.scatter [tilespmem:s24], [sflag:$0x1], $0x80, v4, vm0, $0xb8;
	[tilespmem:$0xE080] =	vst v63  }
0x6f: {  	v3 =	vadd.s32 v1, v3  }
0x70: {  	[hbm4b:s5+s2] =	stream.indirect_vreg.scatter [tilespmem:s25], [sflag:$0x1], $0x80, v4, vm0, $0xb8;
	[tilespmem:$0xE080] =	vst v63  }
0x71: {  	_ = 	snop  }
0x72: {  	[hbm4b:s6+s2] =	stream.indirect_vreg.scatter [tilespmem:s26], [sflag:$0x1], $0x80, v4, vm1, $0xb8;
	[tilespmem:$0xE080] =	vst v63  }
0x73: {  	_ = 	snop  }
0x74: {  	[hbm4b:s3+s2] =	stream.indirect_vreg.scatter [tilespmem:s28], [sflag:$0x1], $0x80, v3, vm0, $0xb8;
	[tilespmem:$0xE080] =	vst v63  }
0x75: {  	_ = 	snop  }
0x76: {  	[hbm4b:s4+s2] =	stream.indirect_vreg.scatter [tilespmem:s29], [sflag:$0x1], $0x80, v3, vm0, $0xb8;
	[tilespmem:$0xE080] =	vst v63  }
0x77: {  	p0 =	sne.s32 s7, $0x1  }
0x78: {  	[hbm4b:s5+s2] =	stream.indirect_vreg.scatter [tilespmem:s30], [sflag:$0x1], $0x80, v3, vm0, $0xb8;
	[tilespmem:$0xE080] =	vst v63  }
.Ltmp0:
0x79: {  	_ = 	snop;
	(pc) =	sbr.rel @p0 .LBB2_1-.Ltmp0, $4  }
0x7a: {  	[hbm4b:s6+s2] =	stream.indirect_vreg.scatter [tilespmem:s31], [sflag:$0x1], $0x80, v3, vm1, $0xb8;
	[tilespmem:$0xE080] =	vst v63  }
0x7b: {  	_ =	swait.ge [sflag:s1], $0xE000  }
0x7c: {  	[sflag:s1] =	ssyncset.done $0x0  }
0x7d: {  	s7 =	sadd.s32 $0xFFFFFFFF, s7;
	[sflag:s1] =	ssyncadd.s32 $0xFFFF2000  }
0x7e: {  	_ =	sfence.sel $0x180000  }
0x7f: {  	[bflag:$0x0] =	sbarrier.arrive $0xFFFF  }
0x80: {  	_ =	strace $0x90000047  }
0x81: {  	s0 =	stileid.u32;
	[bflag:$0x2] =	sbarrier.arrive $0xFFFF  }
0x82: {  	p0 =	sne.s32 s0, $0x0;
	s0 =	rddreg [dreg:$0x1]  }
0x83: {  	s0 =	sadd.s32 @!p0 $0x100000, s0  }
0x84: {  	[sflag:s0] =	ssyncadd.tile.s32 @!p0 $0x1;
	_ =	shalt  }
.Lfunc_end2:
_tile_overlayer_lowered:
.L_overlay_start_2:
0x85: {  	(tag) =	ssettag $0x2  }
0x86: {  	s0 =	rddreg [dreg:$0x0];
	s2 =	stileid.u32  }
0x87: {  	s1 =	rddreg [dreg:$0x1];
	p0 =	sne.s32 s2, $0x0  }
0x88: {  	s3 =	rddreg [dreg:$0x2];
	[bflag:$0x3] =	sbarrier.arrive $0xFFFF;
	s2 =	simm.s32 @!p0 $0x1C02  }
0x89: {  	[timem:s3], [sflag:s2] =	dma.local @!p0 [hbm:s0], s1  }
0x8a: {  	s0 =	simm.s32 @!p0 $0x2  }
0x8b: {  	_ =	swait.ge @!p0 [sflag:s0], s1  }
0x8c: {  	s1 =	ssub.s32 @!p0 $0x0, s1;
	[sflag:s0] =	ssyncset.done @!p0 $0x0  }
0x8d: {  	[sflag:s0] =	ssyncadd.s32 @!p0 s1  }
0x8e: {  	[bflag:$0x3] =	sbarrier.arrive $0xFFFF  }
0x8f: {  	_ =	shalt  }

// kernel: kernel.9.cloned.1.call-start
scs
__scs_entry_jumppad:
0x0: {  	(pc) =	sbr.rel $0x88, $3  }
0x1: {  	(tag) =	ssettag $0x0;
	lr =	simm.s32 $0x1  }
0x2: {  	[smem:$0x3F9C] =	sst lr;
	_ =	strace $0xD0000000  }
0x3: {  	_ = 	snop  }
0x4: {  	_ = 	snop  }
0x5: {  	_ = 	snop  }
0x6: {  	_ = 	snop  }
0x7: {  	_ = 	snop  }
__scs_overlays_trampoline_lowered:
0x8: {  	[smem:$0x3FAB] =	sst s0  }
0x9: {  	[smem:$0x3FAC] =	sst s1  }
0xa: {  	[smem:$0x3FAD] =	sst s2  }
0xb: {  	[smem:$0x3FAE] =	sst s3  }
0xc: {  	[smem:$0x3FAF] =	sst s4  }
0xd: {  	[smem:$0x3FB0] =	sst s5  }
0xe: {  	[smem:$0x3FB1] =	sst s6  }
0xf: {  	[smem:$0x3FB2] =	sst s7  }
0x10: {  	[smem:$0x3FB3] =	sst s8  }
0x11: {  	[smem:$0x3FB4] =	sst s9;
	s0 =	simm.s32 @!p0 $0x0  }
0x12: {  	s1 =	sld [smem:$0x3F9A];
	s0 =	simm.s32 @p0 $0x1  }
0x13: {  	[smem:$0x3FB5] =	sst s0;
	s0 =	simm.s32 @!p1 $0x0  }
0x14: {  	s2 =	sld [smem:$0x3F99];
	s0 =	simm.s32 @p1 $0x1  }
0x15: {  	[smem:$0x3FB6] =	sst s0;
	s0 =	simm.s32 @!p2 $0x0  }
0x16: {  	s3 =	sld [smem:$0x3FDB];
	s0 =	simm.s32 @p2 $0x1  }
0x17: {  	s4 =	simm.s32 $0x1BF5;
	[smem:$0x3FB8] =	sst s0  }
0x18: {  	s0 =	sld [smem:$0x3F9B];
	_ =	swait.ge [sflag:s4], $0x0  }
0x19: {  	s7 =	sld [smem:$0x3F9C]  }
0x1a: {  	s8 =	sadd.s32 $0xFFFFE003, lr  }
0x1b: {  	s9 =	sadd.s32 $0xFFFFFEF7, lr;
	s5 =	simm.s32 $0xFFFFFFFF;
	p2 =	slt.u32 s8, $0xFFFFF086  }
0x1c: {  	p1 =	slt.u32 s9, $0xF7A;
	s5 =	simm.s32 @!p2 $0x0  }
0x1d: {  	s5 =	simm.s32 @p1 $0x1;
	p0 =	seq.s32 s7, s2  }
0x1e: {  	s7 =	smul.u32 @!p0 $0xF7A, s2;
	p2 =	seq.s32 @!p0 s5, $0x0  }
0x1f: {  	s9 =	smul.u32 $0xF7A, s1;
	s8 =	simm.s32 @!p0 $0x1BF5;
	p2 =	por !p2, p0  }
0x20: {  	[sflag:s8] =	ssyncset.s32 @!p0 $0xFFFFF086;
	s6 =	sadd.s32 @!p0 s3, s7;
	s7 =	simm.s32 @!p0 $0x108  }
0x21: {  	s3 =	sadd.s32 s3, s9;
	s6 =	sadd.s32 @!p0 $0x88, s6;
	s7 =	simm.s32 @p2 $0x1082  }
0x22: {  	[simem:s7], [sflag:s8] =	dma.local @!p0 [hbm:s6], $0xF7A  }
0x23: {  	s9 =	sor.u32 $0xD0000000, s2;
	s6 =	simm.s32 $0x108;
	_ =	swait.ge @!p0 [sflag:s8], $0x0  }
0x24: {  	s3 =	sadd.s32 $0x88, s3;
	s6 =	simm.s32 @!p1 $0x1082;
	[sflag:s4] =	ssyncset.s32 $0xFFFFF086  }
0x25: {  	[simem:s6], [sflag:s4] =	dma.local [hbm:s3], $0xF7A  }
0x26: {  	[smem:$0x3F9C] =	sst s1;
	(tag) =	ssettag s2;
	_ =	strace s9  }
0x27: {  	s1 =	sld [smem:$0x3FAC]  }
0x28: {  	s2 =	sld [smem:$0x3FAD]  }
0x29: {  	s4 =	sld [smem:$0x3FAF]  }
0x2a: {  	p0 =	seq.s32 s5, $0x0;
	s5 =	sld [smem:$0x3FB0]  }
0x2b: {  	s6 =	sld [smem:$0x3FB1]  }
0x2c: {  	s7 =	sld [smem:$0x3FB2]  }
0x2d: {  	s3 =	simm.s32 $0x108;
	s8 =	sld [smem:$0x3FB3]  }
0x2e: {  	s3 =	simm.s32 @!p0 $0x1082;
	s9 =	sld [smem:$0x3FB4]  }
0x2f: {  	lr =	sadd.s32 s0, s3;
	s0 =	sld [smem:$0x3FAB]  }
0x30: {  	s3 =	sld [smem:$0x3FAE]  }
0x31: {  	[smem:$0x3FB7] =	sst s10  }
0x32: {  	s10 =	sld [smem:$0x3FB5];
	_ =	sdelay $0x3  }
0x33: {  	p0 =	seq.s32 s10, $0x1;
	s10 =	sld [smem:$0x3FB7];
	_ =	sdelay $0x3  }
0x34: {  	[smem:$0x3FB7] =	sst s10  }
0x35: {  	s10 =	sld [smem:$0x3FB6];
	_ =	sdelay $0x3  }
0x36: {  	p1 =	seq.s32 s10, $0x1;
	s10 =	sld [smem:$0x3FB7];
	_ =	sdelay $0x3  }
0x37: {  	[smem:$0x3FB7] =	sst s10  }
0x38: {  	s10 =	sld [smem:$0x3FB8]  }
0x39: {  	_ = 	snop;
	(pc) =	sbr.ind lr, $3  }
0x3a: {  	_ = 	snop  }
0x3b: {  	_ = 	snop  }
0x3c: {  	p2 =	seq.s32 s10, $0x1;
	s10 =	sld [smem:$0x3FB7]  }
0x3d: {  	_ =	shalt  }
0x3e: {  	_ =	shalt  }
0x3f: {  	_ =	shalt  }
0x40: {  	_ =	shalt  }
0x41: {  	_ =	shalt  }
0x42: {  	_ =	shalt  }
0x43: {  	_ =	shalt  }
0x44: {  	_ =	shalt  }
0x45: {  	_ =	shalt  }
0x46: {  	_ =	shalt  }
0x47: {  	_ =	shalt  }
0x48: {  	_ =	shalt  }
0x49: {  	_ =	shalt  }
0x4a: {  	_ =	shalt  }
0x4b: {  	_ =	shalt  }
0x4c: {  	_ =	shalt  }
0x4d: {  	_ =	shalt  }
0x4e: {  	_ =	shalt  }
0x4f: {  	_ =	shalt  }
0x50: {  	_ =	shalt  }
0x51: {  	_ =	shalt  }
0x52: {  	_ =	shalt  }
0x53: {  	_ =	shalt  }
0x54: {  	_ =	shalt  }
0x55: {  	_ =	shalt  }
0x56: {  	_ =	shalt  }
0x57: {  	_ =	shalt  }
0x58: {  	_ =	shalt  }
0x59: {  	_ =	shalt  }
0x5a: {  	_ =	shalt  }
0x5b: {  	_ =	shalt  }
0x5c: {  	_ =	shalt  }
0x5d: {  	_ =	shalt  }
0x5e: {  	_ =	shalt  }
0x5f: {  	_ =	shalt  }
0x60: {  	_ =	shalt  }
0x61: {  	_ =	shalt  }
0x62: {  	_ =	shalt  }
0x63: {  	_ =	shalt  }
0x64: {  	_ =	shalt  }
0x65: {  	_ =	shalt  }
0x66: {  	_ =	shalt  }
0x67: {  	_ =	shalt  }
0x68: {  	_ =	shalt  }
0x69: {  	_ =	shalt  }
0x6a: {  	_ =	shalt  }
0x6b: {  	_ =	shalt  }
0x6c: {  	_ =	shalt  }
0x6d: {  	_ =	shalt  }
0x6e: {  	_ =	shalt  }
0x6f: {  	_ =	shalt  }
0x70: {  	_ =	shalt  }
0x71: {  	_ =	shalt  }
0x72: {  	_ =	shalt  }
0x73: {  	_ =	shalt  }
0x74: {  	_ =	shalt  }
0x75: {  	_ =	shalt  }
0x76: {  	_ =	shalt  }
0x77: {  	_ =	shalt  }
0x78: {  	_ =	shalt  }
0x79: {  	_ =	shalt  }
0x7a: {  	_ =	shalt  }
0x7b: {  	_ =	shalt  }
0x7c: {  	_ =	shalt  }
0x7d: {  	_ =	shalt  }
0x7e: {  	_ =	shalt  }
0x7f: {  	_ =	shalt  }
0x80: {  	_ =	shalt  }
0x81: {  	_ =	shalt  }
0x82: {  	_ =	shalt  }
0x83: {  	_ =	shalt  }
0x84: {  	_ =	shalt  }
0x85: {  	_ =	shalt  }
0x86: {  	_ =	shalt  }
0x87: {  	_ =	shalt  }
.Lfunc_end0:
.L_simem_size_0:
called_computation.1_lowered:
.L_overlay_start_0:
0x88: {  	s2 =	sld [smem:$0x3FD9]  }
0x89: {  	s3 =	sld [smem:$0x3FFE];
	_ =	sdelay $0x1  }
0x8a: {  	s1 =	srdreg.scid  }
0x8b: {  	s0 =	sand.u32 $0x1, s1  }
0x8c: {  	s14 =	sshll.u32 s0, $0xA;
	s2 =	sadd.s32 s3, s2  }
0x8d: {  	s2 =	sadd.s32 s2, s14  }
0x8e: {  	[smem:$0x3FC3] =	sst s2  }
0x8f: {  	_ = 	snop  }
0x90: {  	s2 =	sld [smem:$0x3FD0];
	_ =	sdelay $0x2  }
0x91: {  	s15 =	simm.s32 $0xA;
	s4 =	simm.s32 $0x10  }
0x92: {  	[smem:s4], [sflag:s15] =	dma.local [hbm:s2], $0x1  }
0x93: {  	_ =	swait.eq [sflag:s15], $0x1  }
0x94: {  	[sflag:s15] =	ssyncset.done $0x0  }
0x95: {  	[sflag:s15] =	ssyncadd.s32 $0xFFFFFFFF  }
0x96: {  	s16 =	sld [smem:$0x10];
	(tm) =	ssettm $0x1  }
0x97: {  	s17 =	sld [smem:$0x3FFB];
	_ =	sdelay $0x3  }
0x98: {  	_ =	strace s17  }
0x99: {  	s3 =	sld [smem:$0x3FFC];
	_ =	sdelay $0x3  }
0x9a: {  	_ =	strace s3  }
0x9b: {  	s3 =	sld [smem:$0x3FFD];
	_ =	sdelay $0x3  }
0x9c: {  	_ =	strace s3  }
0x9d: {  	_ =	strace $0x8FFFFFFF  }
0x9e: {  	s18 =	sld [smem:$0x3FDB];
	_ =	sdelay $0x1  }
0x9f: {  	s19 =	simm.s32 $_scs_section_size  }
0xa0: {  	s5 =	simm.s32 $_size__tile_overlayer_lowered;
	s6 =	simm.s32 $_tile_overlayer_lowered  }
0xa1: {  	s22 =	simm.s32 $0x1BFF;
	s21 =	sshll.u32 s6, $0x1;
	s3 =	sadd.s32 s19, s18  }
0xa2: {  	s7 =	simm.s32 $0x0;
	s20 =	sshll.u32 s5, $0x1;
	s5 =	sadd.s32 s21, s3  }
0xa3: {  	[timem:s7], [sflag:s22] =	dma.local [hbm:s5], s20  }
0xa4: {  	_ =	swait.ge [sflag:s22], s20  }
0xa5: {  	s4 =	ssub.s32 $0x0, s20;
	[sflag:s22] =	ssyncset.done $0x0  }
0xa6: {  	[sflag:s22] =	ssyncadd.s32 s4;
	_ =	sdelay $0x1  }
0xa7: {  	s23 =	simm.s32 $0x1B8B  }
0xa8: {  	_ =	swait.ge [sflag:s23], $0x1  }
0xa9: {  	[sflag:s23] =	ssyncset.done $0x0  }
0xaa: {  	s25 =	simm.s32 $0x1B8E;
	s24 =	sld [smem:$0x3FFE];
	[sflag:s23] =	ssyncadd.s32 $0xFFFFFFFF  }
0xab: {  	s26 =	simm.s32 $execute0_lowered;
	[smem:$0x3FD2] =	sst s25  }
0xac: {  	s5 =	sshll.u32 s26, $0x1;
	_ =	strace $0x80000049;
	[dreg:$0x1] =	wrdreg $0xFFFFFFFF  }
0xad: {  	s28 =	simm.s32 $_size_execute0_lowered;
	s3 =	sadd.s32 s3, s5;
	[dreg:$0x0] =	wrdreg $0x0  }
0xae: {  	s5 =	sshll.u32 s28, $0x1;
	[dreg:$0x2] =	wrdreg s3  }
0xaf: {  	[dreg:$0x3] =	wrdreg s5  }
0xb0: {  	[dreg:$0x4] =	wrdreg $0xC0  }
0xb1: {  	_ =	task [dreg:s7], $0x5FFFF  }
0xb2: {  	[dreg:$0x1] =	wrdreg $0xFFFFFFFF  }
0xb3: {  	[dreg:$0x0] =	wrdreg $0x60  }
0xb4: {  	[dreg:$0x2] =	wrdreg s24  }
0xb5: {  	[dreg:$0x3] =	wrdreg s16  }
0xb6: {  	[dreg:$0x4] =	wrdreg $0x9  }
0xb7: {  	_ =	task.clear_ibuf [dreg:s7], $0x5FFFF;
	_ =	strace $0x90000049  }
0xb8: {  	s29 =	simm.s32 $0x9;
	_ =	strace $0x8000004B  }
0xb9: {  	_ =	swait.ge [sflag:s29], $0x1  }
0xba: {  	[sflag:s29] =	ssyncadd.s32 $0xFFFFFFFF  }
0xbb: {  	_ =	strace $0x9000004B  }
0xbc: {  	_ =	sfence  }
0xbd: {  	s30 =	sld [smem:$0x0];
	_ =	sdelay $0x2  }
0xbe: {  	s31 =	sshll.u32 s1, $0xD;
	s1 =	sshrl.u32 s1, $0x2  }
0xbf: {  	s3 =	sand.u32 $0x4000, s31;
	s1 =	sadd.s32 s1, s30  }
0xc0: {  	s0 =	sor.u32 s3, s0;
	s1 =	sshll.u32 s1, $0x11  }
0xc1: {  	s0 =	sor.u32 s1, s0  }
0xc2: {  	s0 =	sadd.s32 $0x8F2B, s0  }
0xc3: {  	[sflag:s0] =	ssyncadd.remote.s32 $0x1  }
0xc4: {  	_ =	sfence.sel $0xFFFF  }
0xc5: {  	[dreg:$0x0] =	wrdreg $0xFFFFFFFF;
	(pc) =	sbr.abs _section_cstart, $3  }
0xc6: {  	[dreg:$0x1] =	wrdreg $0xFFFFFFFF  }
0xc7: {  	_ =	task.clear_ibuf [dreg:s7], $0x2FFFF;
	_ =	strace $0x9FFFFFFF  }
0xc8: {  	(tm) =	ssettm $0x7FFFFFFF  }
0xc9: {  	_ =	shalt  }
tec
execute0_lowered:
.L_overlay_start_1:
0x0: {  	(tag) =	ssettag $0x1  }
0x1: {  	s0 =	rddreg [dreg:$0x0]  }
0x2: {  	s5 =	rddreg [dreg:$0x1];
	s3 =	srdreg.scid  }
0x3: {  	s2 =	simm.s32 $0x0;
	s1 =	stileid.u32;
	s26 =	simm.s32 $0x880  }
0x4: {  	s10 =	simm.s32 $0x1880;
	s11 =	simm.s32 $0x2080;
	s12 =	simm.s32 $0x2880  }
0x5: {  	s13 =	simm.s32 $0x3080;
	s14 =	simm.s32 $0x3880;
	s15 =	simm.s32 $0x4080  }
0x6: {  	s16 =	simm.s32 $0x4880;
	s17 =	simm.s32 $0x5080;
	s18 =	simm.s32 $0x5880  }
0x7: {  	s19 =	simm.s32 $0x6080;
	s20 =	simm.s32 $0x6880;
	s21 =	simm.s32 $0x7080  }
0x8: {  	s22 =	simm.s32 $0x7880;
	s28 =	simm.s32 $0xA080;
	s29 =	simm.s32 $0xA880  }
0x9: {  	s30 =	simm.s32 $0xB080;
	s31 =	simm.s32 $0xB880;
	s3 =	sand.u32 $0x1, s3  }
0xa: {  	[smem:$0x7FF] =	sst s2;
	s4 =	sshll.u32 s1, $0x4;
	s6 =	sshll.u32 s3, $0x3  }
0xb: {  	_ =	strace $0x8000004A;
	s23 =	ssub.s32 $0x2, s3;
	s3 =	sadd.s32 $0x1400, s0  }
0xc: {  	[dreg:$0x5] =	wrdreg s26;
	s26 =	simm.s32 $0x9880;
	s4 =	sor.u32 s6, s4  }
0xd: {  	s8 =	sshrl.u32 s23, $0x1;
	s7 =	sadd.s32 s4, s0;
	s9 =	smul.u32 $0x300, s4  }
0xe: {  	s6 =	ssub.s32 s23, s8;
	s4 =	sadd.s32 $0x1500, s0;
	s8 =	simm.s32 $0x80  }
0xf: {  	s23 =	simm.s32 $0x8080;
	s24 =	sadd.s32 $0x39400, s7;
	s6 =	smax.u32 s6, $0x1  }
0x10: {  	v2 =	vlaneseq.u32;
	s7 =	simm.s32 $0x2;
	[dreg:$0x3] =	wrdreg s24;
	s25 =	sadd.s32 s5, s9  }
0x11: {  	vm0 =	vmmov $0xffff;
	v1 =	vshrl.u32 v2, $0x3;
	s5 =	sadd.s32 $0x1600, s0;
	s9 =	simm.s32 $0x1080;
	s24 =	simm.s32 $0x8880  }
0x12: {  	v0 =	vand.u32 $0x7, v2;
	v2 =	vor.u32 $0x8, v2;
	v1 =	vmul.u32 $0x8, v1;
	s0 =	simm.s32 $0x1;
	[dreg:$0x4] =	wrdreg s25;
	s25 =	simm.s32 $0x9080  }
.LBB2_1:
0x13: {  	s1 =	rddreg [dreg:$0x3]  }
0x14: {  	[tilespmem:s2], [sflag:$0x2] =	stream.linear.gather [hbm4b:s1+s2], $0x40, $0x38;
	[tilespmem:$0xC080] =	vst v63  }
0x15: {  	_ =	swait.ge [sflag:s7], $0x40  }
0x16: {  	[sflag:s7] =	ssyncset.done $0x0  }
0x17: {  	[sflag:s7] =	ssyncadd.s32 $0xFFFFFFC0  }
0x18: {  	v3 =	vld [tilespmem:$0x0];
	_ =	sdelay $0x4  }
0x19: {  	v4 =	vshrl.u32 v3, $0x3  }
0x1a: {  	v4 =	vmul.u32 $0x30, v4  }
0x1b: {  	v3 =	vand.u32 $0x7, v3  }
0x1c: {  	v3 =	vor.u32 v3, v4  }
0x1d: {  	v4 =	vperm.xlane v3, v0;
	_ =	sdelay $0x1  }
0x1e: {  	v4 =	vadd.s32 v1, v4;
	_ =	sdelay $0x3  }
0x1f: {  	v3 =	vperm.xlane v3, v2  }
0x20: {  	[tilespmem:s8], [sflag:$0x1] =	stream.indirect_vreg.gather [hbm4b:s3+s2], $0x80, v4, vm0, $0xb8;
	[tilespmem:$0xC080] =	vst v63  }
0x21: {  	s1 =	rddreg [dreg:$0x5];
	v3 =	vadd.s32 v1, v3  }
0x22: {  	[tilespmem:s1], [sflag:$0x1] =	stream.indirect_vreg.gather [hbm4b:s4+s2], $0x80, v4, vm0, $0xb8;
	[tilespmem:$0xC080] =	vst v63  }
0x23: {  	_ = 	snop  }
0x24: {  	[tilespmem:s9], [sflag:$0x1] =	stream.indirect_vreg.gather [hbm4b:s5+s2], $0x80, v4, vm0, $0xb8;
	[tilespmem:$0xC080] =	vst v63  }
0x25: {  	_ = 	snop  }
0x26: {  	[tilespmem:s10], [sflag:$0x1] =	stream.indirect_vreg.gather [hbm4b:s3+s2], $0x80, v3, vm0, $0xb8;
	[tilespmem:$0xC080] =	vst v63  }
0x27: {  	_ = 	snop  }
0x28: {  	[tilespmem:s11], [sflag:$0x1] =	stream.indirect_vreg.gather [hbm4b:s4+s2], $0x80, v3, vm0, $0xb8;
	[tilespmem:$0xC080] =	vst v63  }
0x29: {  	_ = 	snop  }
0x2a: {  	[tilespmem:s12], [sflag:$0x1] =	stream.indirect_vreg.gather [hbm4b:s5+s2], $0x80, v3, vm0, $0xb8;
	[tilespmem:$0xC080] =	vst v63  }
0x2b: {  	v3 =	vld [tilespmem:$0x10];
	_ =	sdelay $0x4  }
0x2c: {  	v61 =	vshrl.u32 v3, $0x3  }
0x2d: {  	v4 =	vmul.u32 $0x30, v61  }
0x2e: {  	v3 =	vand.u32 $0x7, v3  }
0x2f: {  	v3 =	vor.u32 v3, v4  }
0x30: {  	v4 =	vperm.xlane v3, v0;
	_ =	sdelay $0x1  }
0x31: {  	v4 =	vadd.s32 v1, v4;
	_ =	sdelay $0x3  }
0x32: {  	v3 =	vperm.xlane v3, v2  }
0x33: {  	[tilespmem:s13], [sflag:$0x1] =	stream.indirect_vreg.gather [hbm4b:s3+s2], $0x80, v4, vm0, $0xb8;
	[tilespmem:$0xC080] =	vst v63  }
0x34: {  	v3 =	vadd.s32 v1, v3  }
0x35: {  	[tilespmem:s14], [sflag:$0x1] =	stream.indirect_vreg.gather [hbm4b:s4+s2], $0x80, v4, vm0, $0xb8;
	[tilespmem:$0xC080] =	vst v63  }
0x36: {  	_ = 	snop  }
0x37: {  	[tilespmem:s15], [sflag:$0x1] =	stream.indirect_vreg.gather [hbm4b:s5+s2], $0x80, v4, vm0, $0xb8;
	[tilespmem:$0xC080] =	vst v63  }
0x38: {  	_ = 	snop  }
0x39: {  	[tilespmem:s16], [sflag:$0x1] =	stream.indirect_vreg.gather [hbm4b:s3+s2], $0x80, v3, vm0, $0xb8;
	[tilespmem:$0xC080] =	vst v63  }
0x3a: {  	_ = 	snop  }
0x3b: {  	[tilespmem:s17], [sflag:$0x1] =	stream.indirect_vreg.gather [hbm4b:s4+s2], $0x80, v3, vm0, $0xb8;
	[tilespmem:$0xC080] =	vst v63  }
0x3c: {  	_ = 	snop  }
0x3d: {  	[tilespmem:s18], [sflag:$0x1] =	stream.indirect_vreg.gather [hbm4b:s5+s2], $0x80, v3, vm0, $0xb8;
	[tilespmem:$0xC080] =	vst v63  }
0x3e: {  	v3 =	vld [tilespmem:$0x20];
	_ =	sdelay $0x4  }
0x3f: {  	v62 =	vshrl.u32 v3, $0x3  }
0x40: {  	v4 =	vmul.u32 $0x30, v62  }
0x41: {  	v3 =	vand.u32 $0x7, v3  }
0x42: {  	v3 =	vor.u32 v3, v4  }
0x43: {  	v4 =	vperm.xlane v3, v0;
	_ =	sdelay $0x1  }
0x44: {  	v4 =	vadd.s32 v1, v4;
	_ =	sdelay $0x3  }
0x45: {  	v3 =	vperm.xlane v3, v2  }
0x46: {  	[tilespmem:s19], [sflag:$0x1] =	stream.indirect_vreg.gather [hbm4b:s3+s2], $0x80, v4, vm0, $0xb8;
	[tilespmem:$0xC080] =	vst v63  }
0x47: {  	v3 =	vadd.s32 v1, v3  }
0x48: {  	[tilespmem:s20], [sflag:$0x1] =	stream.indirect_vreg.gather [hbm4b:s4+s2], $0x80, v4, vm0, $0xb8;
	[tilespmem:$0xC080] =	vst v63  }
0x49: {  	_ = 	snop  }
0x4a: {  	[tilespmem:s21], [sflag:$0x1] =	stream.indirect_vreg.gather [hbm4b:s5+s2], $0x80, v4, vm0, $0xb8;
	[tilespmem:$0xC080] =	vst v63  }
0x4b: {  	_ = 	snop  }
0x4c: {  	[tilespmem:s22], [sflag:$0x1] =	stream.indirect_vreg.gather [hbm4b:s3+s2], $0x80, v3, vm0, $0xb8;
	[tilespmem:$0xC080] =	vst v63  }
0x4d: {  	_ = 	snop  }
0x4e: {  	[tilespmem:s23], [sflag:$0x1] =	stream.indirect_vreg.gather [hbm4b:s4+s2], $0x80, v3, vm0, $0xb8;
	[tilespmem:$0xC080] =	vst v63  }
0x4f: {  	_ = 	snop  }
0x50: {  	[tilespmem:s24], [sflag:$0x1] =	stream.indirect_vreg.gather [hbm4b:s5+s2], $0x80, v3, vm0, $0xb8;
	[tilespmem:$0xC080] =	vst v63  }
0x51: {  	v3 =	vld [tilespmem:$0x30];
	_ =	sdelay $0x4  }
0x52: {  	v63 =	vshrl.u32 v3, $0x3  }
0x53: {  	v4 =	vmul.u32 $0x30, v63  }
0x54: {  	v3 =	vand.u32 $0x7, v3  }
0x55: {  	v3 =	vor.u32 v3, v4  }
0x56: {  	v4 =	vperm.xlane v3, v0;
	_ =	sdelay $0x1  }
0x57: {  	v4 =	vadd.s32 v1, v4;
	_ =	sdelay $0x3  }
0x58: {  	v3 =	vperm.xlane v3, v2  }
0x59: {  	[tilespmem:s25], [sflag:$0x1] =	stream.indirect_vreg.gather [hbm4b:s3+s2], $0x80, v4, vm0, $0xb8;
	[tilespmem:$0xC080] =	vst v63  }
0x5a: {  	v3 =	vadd.s32 v1, v3  }
0x5b: {  	[tilespmem:s26], [sflag:$0x1] =	stream.indirect_vreg.gather [hbm4b:s4+s2], $0x80, v4, vm0, $0xb8;
	[tilespmem:$0xC080] =	vst v63  }
0x5c: {  	_ = 	snop  }
0x5d: {  	[tilespmem:s28], [sflag:$0x1] =	stream.indirect_vreg.gather [hbm4b:s5+s2], $0x80, v4, vm0, $0xb8;
	[tilespmem:$0xC080] =	vst v63  }
0x5e: {  	_ = 	snop  }
0x5f: {  	[tilespmem:s29], [sflag:$0x1] =	stream.indirect_vreg.gather [hbm4b:s3+s2], $0x80, v3, vm0, $0xb8;
	[tilespmem:$0xC080] =	vst v63  }
0x60: {  	_ = 	snop  }
0x61: {  	[tilespmem:s30], [sflag:$0x1] =	stream.indirect_vreg.gather [hbm4b:s4+s2], $0x80, v3, vm0, $0xb8;
	[tilespmem:$0xC080] =	vst v63  }
0x62: {  	_ = 	snop  }
0x63: {  	[tilespmem:s31], [sflag:$0x1] =	stream.indirect_vreg.gather [hbm4b:s5+s2], $0x80, v3, vm0, $0xb8;
	[tilespmem:$0xC080] =	vst v63  }
0x64: {  	_ =	swait.ge [sflag:s0], $0xC000  }
0x65: {  	p0 =	sne.s32 s6, $0x1;
	[sflag:s0] =	ssyncset.done $0x0  }
.Ltmp0:
0x66: {  	s1 =	rddreg [dreg:$0x4];
	[sflag:s0] =	ssyncadd.s32 $0xFFFF4000;
	(pc) =	sbr.rel @p0 .LBB2_1-.Ltmp0, $4  }
0x67: {  	[hbm4b:s1+s2] =	stream.linear.scatter [tilespmem:s8], [sflag:$0x2], $0xC000, $0x38;
	[tilespmem:$0xC080] =	vst v63  }
0x68: {  	_ =	swait.ge [sflag:s7], $0xC000  }
0x69: {  	[sflag:s7] =	ssyncset.done $0x0  }
0x6a: {  	s6 =	sadd.s32 $0xFFFFFFFF, s6;
	[sflag:s7] =	ssyncadd.s32 $0xFFFF4000  }
0x6b: {  	_ =	sfence.sel $0x180000  }
0x6c: {  	[bflag:$0x0] =	sbarrier.arrive $0xFFFF  }
0x6d: {  	_ =	strace $0x9000004A  }
0x6e: {  	s0 =	stileid.u32;
	[bflag:$0x2] =	sbarrier.arrive $0xFFFF  }
0x6f: {  	p0 =	sne.s32 s0, $0x0;
	s0 =	rddreg [dreg:$0x2]  }
0x70: {  	s0 =	sadd.s32 @!p0 $0x100000, s0  }
0x71: {  	[sflag:s0] =	ssyncadd.tile.s32 @!p0 $0x1;
	_ =	shalt  }
.Lfunc_end2:
_tile_overlayer_lowered:
.L_overlay_start_2:
0x72: {  	(tag) =	ssettag $0x2  }
0x73: {  	s0 =	rddreg [dreg:$0x0];
	s2 =	stileid.u32  }
0x74: {  	s1 =	rddreg [dreg:$0x1];
	p0 =	sne.s32 s2, $0x0  }
0x75: {  	s3 =	rddreg [dreg:$0x2];
	[bflag:$0x3] =	sbarrier.arrive $0xFFFF;
	s2 =	simm.s32 @!p0 $0x1C02  }
0x76: {  	[timem:s3], [sflag:s2] =	dma.local @!p0 [hbm:s0], s1  }
0x77: {  	s0 =	simm.s32 @!p0 $0x2  }
0x78: {  	_ =	swait.ge @!p0 [sflag:s0], s1  }
0x79: {  	s1 =	ssub.s32 @!p0 $0x0, s1;
	[sflag:s0] =	ssyncset.done @!p0 $0x0  }
0x7a: {  	[sflag:s0] =	ssyncadd.s32 @!p0 s1  }
0x7b: {  	[bflag:$0x3] =	sbarrier.arrive $0xFFFF  }
0x7c: {  	_ =	shalt  }

</sc_bundles>
